<compile_context>
chip_gen: v7x
topology: tpu7x:2x2x1
jax: 0.10.2.dev20260603
libtpu: 0.0.44.dev20260713+nightly
codegen_flags: <defaults>
</compile_context>

<pallas_src>
import functools

import jax
import jax.numpy as jnp
from jax import lax
from jax.experimental import pallas as pl
from jax.experimental.pallas import tpu as pltpu
from jax.experimental.pallas import tpu_sc as plsc

D = 64
CHUNK = 256
NBUF = 5


def _make_kernel(batch, hist, num_workers):
    total = batch * hist
    per_w = total // num_workers
    n_chunks = per_w // CHUNK
    n_groups = n_chunks // NBUF
    blocks_per_h = batch // CHUNK
    assert per_w * num_workers == total
    assert n_chunks * CHUNK == per_w
    assert n_groups * NBUF == n_chunks
    assert blocks_per_h * CHUNK == batch

    mesh = plsc.VectorSubcoreMesh(core_axis_name="c", subcore_axis_name="s")
    num_cores = mesh.num_cores

    @functools.partial(
        pl.kernel,
        out_type=jax.ShapeDtypeStruct((hist, batch, D), jnp.float32),
        mesh=mesh,
        scratch_types=[
            pltpu.VMEM((n_chunks, CHUNK), jnp.int32),
            pltpu.VMEM((NBUF, CHUNK, D), jnp.float32),
        ] + [pltpu.SemaphoreType.DMA] * NBUF,
        compiler_params=pltpu.CompilerParams(
            use_tc_tiling_on_sc=False, needs_layout_passes=False
        ),
    )
    def emb_kernel(x_hbm, w_hbm, out_hbm, idx_v, rows_v, *gsems):
        wid = lax.axis_index("s") * num_cores + lax.axis_index("c")
        chunk_base = wid * n_chunks

        pltpu.sync_copy(x_hbm.at[pl.ds(chunk_base, n_chunks)], idx_v)

        def start_gather(chunk, buf):
            pltpu.make_async_copy(
                w_hbm.at[idx_v.at[chunk]], rows_v.at[buf], gsems[buf]
            ).start()

        def wait_gather(chunk, buf):
            pltpu.make_async_copy(
                w_hbm.at[idx_v.at[chunk]], rows_v.at[buf], gsems[buf]
            ).wait()

        for b in range(NBUF):
            start_gather(b, b)

        def group_body(g, _):
            for b in range(NBUF):
                i = g * NBUF + b
                wait_gather(i, b)
                src = rows_v.at[b]

                j = chunk_base + i
                h = j // blocks_per_h
                b0 = (j % blocks_per_h) * CHUNK
                pltpu.sync_copy(
                    src, out_hbm.at[h].at[pl.ds(b0, CHUNK), :]
                )
                nxt = i + NBUF

                @pl.when(nxt < n_chunks)
                def _():
                    start_gather(nxt, b)

        lax.fori_loop(0, n_groups, group_body, None)

    return emb_kernel


def kernel(x, W):
    batch, hist = x.shape
    info = plsc.get_sparse_core_info()
    num_workers = info.num_cores * info.num_subcores
    x_rows = x.T.reshape(batch * hist // CHUNK, CHUNK).astype(jnp.int32)
    out_t = _make_kernel(batch, hist, num_workers)(x_rows, W)
    return out_t.transpose(1, 0, 2)

# --- scband reference (transcript-rebuilt; emitter-appended) ---
"""Pipeline reference for scband-word-embedding-12000138625272 (READ-ONLY COPY).

The authoritative reference and input builder live on the scoring server;
editing this copy changes nothing except your own understanding.
"""

import jax, jax.numpy as jnp
import numpy as np

NUMB_WORDS = 1000000
EMBED_DIM = 64
BATCH = 16384
HIST = 50

def setup_inputs(seed: int = 0) -> dict:
    key = jax.random.key(seed)
    k1, k2 = jax.random.split(key)
    x = jax.random.randint(k1, (BATCH, HIST), 0, NUMB_WORDS, dtype=jnp.int64 if jax.config.jax_enable_x64 else jnp.int32)
    W = jax.random.normal(k2, (NUMB_WORDS, EMBED_DIM), dtype=jnp.float32)
    return {"x": x, "W": W}

def reference(x, W):
    # nn.Embedding forward: row gather from the weight table
    return jnp.take(W, x, axis=0)

if __name__ == "__main__":
    import jax
    _d = setup_inputs()
    print(jax.jit(kernel)(*tuple(_d.values())))

</pallas_src>

<mosaic_0001>
#map = affine_map<(d0, d1) -> (0, 0)>
#map1 = affine_map<(d0, d1) -> (0, 0, 0)>
module attributes {stable_mosaic.version = 14 : i64} {
  func.func @emb_kernel(%arg0: i32, %arg1: i32, %arg2: memref<3200x256xi32, #tpu.memory_space<hbm>>, %arg3: memref<1000000x64xf32, #tpu.memory_space<hbm>>, %arg4: memref<50x16384x64xf32, #tpu.memory_space<hbm>>, %arg5: memref<100x256xi32, #tpu.memory_space<vmem>>, %arg6: memref<5x256x64xf32, #tpu.memory_space<vmem>>, %arg7: memref<!tpu.dma_semaphore, #tpu.memory_space<semaphore_mem>>, %arg8: memref<!tpu.dma_semaphore, #tpu.memory_space<semaphore_mem>>, %arg9: memref<!tpu.dma_semaphore, #tpu.memory_space<semaphore_mem>>, %arg10: memref<!tpu.dma_semaphore, #tpu.memory_space<semaphore_mem>>, %arg11: memref<!tpu.dma_semaphore, #tpu.memory_space<semaphore_mem>>) attributes {dimension_semantics = [#tpu.dimension_semantics<core_parallel>, #tpu.dimension_semantics<subcore_parallel>], iteration_bounds = array<i64: 2, 16>, scalar_prefetch = 0 : i64, scratch_operands = 7 : i64, tpu.core_type = #tpu.core_type<sc_vector_subcore>, window_params = [{transform_indices = #map}, {transform_indices = #map}, {transform_indices = #map1}]} {
    %mul3A = arith.constant 2 : i32
    %mul3A_0 = arith.muli %arg1, %mul3A : i32
    %add3A = arith.addi %mul3A_0, %arg0 : i32
    %mul3A_1 = arith.constant 100 : i32
    %mul3A_2 = arith.muli %add3A, %mul3A_1 : i32
    "tpu.region"() ({
      %run_scoped3A = tpu.sem_alloc : memref<!tpu.dma_semaphore, #tpu.memory_space<semaphore_mem>>
      %dma_start3A_66 = arith.constant 0 : i32
      %dma_start3A_67 = tpu.memref_slice %arg2[%mul3A_2, %dma_start3A_66] : memref<3200x256xi32, #tpu.memory_space<hbm>> -> memref<100x256xi32, #tpu.memory_space<hbm>>
      %dma_start3A_68 = arith.constant 0 : i32
      %dma_start3A_69 = tpu.memref_slice %arg2[%mul3A_2, %dma_start3A_68] : memref<3200x256xi32, #tpu.memory_space<hbm>> -> memref<100x256xi32, #tpu.memory_space<hbm>>
      tpu.enqueue_dma source(%dma_start3A_69 : memref<100x256xi32, #tpu.memory_space<hbm>>) target(%arg5 : memref<100x256xi32, #tpu.memory_space<vmem>>) target_semaphore(%run_scoped3A : memref<!tpu.dma_semaphore, #tpu.memory_space<semaphore_mem>>)
      %dma_wait3A = arith.constant 0 : i32
      %dma_wait3A_70 = tpu.memref_slice %arg2[%mul3A_2, %dma_wait3A] : memref<3200x256xi32, #tpu.memory_space<hbm>> -> memref<100x256xi32, #tpu.memory_space<hbm>>
      %dma_wait3A_71 = arith.constant 0 : i32
      %dma_wait3A_72 = tpu.memref_slice %arg2[%mul3A_2, %dma_wait3A_71] : memref<3200x256xi32, #tpu.memory_space<hbm>> -> memref<100x256xi32, #tpu.memory_space<hbm>>
      tpu.wait_dma2 semaphore(%run_scoped3A : memref<!tpu.dma_semaphore, #tpu.memory_space<semaphore_mem>>) src(%dma_wait3A_72 : memref<100x256xi32, #tpu.memory_space<hbm>>) dst(%arg5 : memref<100x256xi32, #tpu.memory_space<vmem>>)
      tpu.yield
    }) : () -> ()
    %dma_start3A = arith.constant 0 : i32
    %dma_start3A_3 = arith.constant 0 : i32
    %dma_start3A_4 = arith.constant 0 : i32
    %dma_start3A_5 = arith.constant 0 : i32
    %dma_start3A_6 = tpu.memref_slice %arg6[%dma_start3A_3, %dma_start3A_4, %dma_start3A_5] : memref<5x256x64xf32, #tpu.memory_space<vmem>> -> memref<1x256x64xf32, #tpu.memory_space<vmem>>
    %dma_start3A_7 = tpu.memref_squeeze %dma_start3A_6 : memref<1x256x64xf32, #tpu.memory_space<vmem>> -> memref<256x64xf32, #tpu.memory_space<vmem>>
    %dma_start3A_8 = arith.constant 0 : i32
    %dma_start3A_9 = tpu.memref_slice %arg5[%dma_start3A, %dma_start3A_8] : memref<100x256xi32, #tpu.memory_space<vmem>> -> memref<1x256xi32, #tpu.memory_space<vmem>>
    %dma_start3A_10 = tpu.memref_squeeze %dma_start3A_9 : memref<1x256xi32, #tpu.memory_space<vmem>> -> memref<256xi32, #tpu.memory_space<vmem>>
    %dma_start3A_11 = arith.constant 0 : i32
    %dma_start3A_12 = arith.constant 0 : i32
    %dma_start3A_13 = tpu.memref_slice %arg3[%dma_start3A_11, %dma_start3A_12] : memref<1000000x64xf32, #tpu.memory_space<hbm>> -> memref<1000000x64xf32, #tpu.memory_space<hbm>>
    tpu.enqueue_indirect_dma source(%dma_start3A_13 : memref<1000000x64xf32, #tpu.memory_space<hbm>>) target(%dma_start3A_7 : memref<256x64xf32, #tpu.memory_space<vmem>>) offsets(%dma_start3A_10 : memref<256xi32, #tpu.memory_space<vmem>>) semaphore(%arg7 : memref<!tpu.dma_semaphore, #tpu.memory_space<semaphore_mem>>)
    %dma_start3A_14 = arith.constant 1 : i32
    %dma_start3A_15 = arith.constant 1 : i32
    %dma_start3A_16 = arith.constant 0 : i32
    %dma_start3A_17 = arith.constant 0 : i32
    %dma_start3A_18 = tpu.memref_slice %arg6[%dma_start3A_15, %dma_start3A_16, %dma_start3A_17] : memref<5x256x64xf32, #tpu.memory_space<vmem>> -> memref<1x256x64xf32, #tpu.memory_space<vmem>>
    %dma_start3A_19 = tpu.memref_squeeze %dma_start3A_18 : memref<1x256x64xf32, #tpu.memory_space<vmem>> -> memref<256x64xf32, #tpu.memory_space<vmem>>
    %dma_start3A_20 = arith.constant 0 : i32
    %dma_start3A_21 = tpu.memref_slice %arg5[%dma_start3A_14, %dma_start3A_20] : memref<100x256xi32, #tpu.memory_space<vmem>> -> memref<1x256xi32, #tpu.memory_space<vmem>>
    %dma_start3A_22 = tpu.memref_squeeze %dma_start3A_21 : memref<1x256xi32, #tpu.memory_space<vmem>> -> memref<256xi32, #tpu.memory_space<vmem>>
    %dma_start3A_23 = arith.constant 0 : i32
    %dma_start3A_24 = arith.constant 0 : i32
    %dma_start3A_25 = tpu.memref_slice %arg3[%dma_start3A_23, %dma_start3A_24] : memref<1000000x64xf32, #tpu.memory_space<hbm>> -> memref<1000000x64xf32, #tpu.memory_space<hbm>>
    tpu.enqueue_indirect_dma source(%dma_start3A_25 : memref<1000000x64xf32, #tpu.memory_space<hbm>>) target(%dma_start3A_19 : memref<256x64xf32, #tpu.memory_space<vmem>>) offsets(%dma_start3A_22 : memref<256xi32, #tpu.memory_space<vmem>>) semaphore(%arg8 : memref<!tpu.dma_semaphore, #tpu.memory_space<semaphore_mem>>)
    %dma_start3A_26 = arith.constant 2 : i32
    %dma_start3A_27 = arith.constant 2 : i32
    %dma_start3A_28 = arith.constant 0 : i32
    %dma_start3A_29 = arith.constant 0 : i32
    %dma_start3A_30 = tpu.memref_slice %arg6[%dma_start3A_27, %dma_start3A_28, %dma_start3A_29] : memref<5x256x64xf32, #tpu.memory_space<vmem>> -> memref<1x256x64xf32, #tpu.memory_space<vmem>>
    %dma_start3A_31 = tpu.memref_squeeze %dma_start3A_30 : memref<1x256x64xf32, #tpu.memory_space<vmem>> -> memref<256x64xf32, #tpu.memory_space<vmem>>
    %dma_start3A_32 = arith.constant 0 : i32
    %dma_start3A_33 = tpu.memref_slice %arg5[%dma_start3A_26, %dma_start3A_32] : memref<100x256xi32, #tpu.memory_space<vmem>> -> memref<1x256xi32, #tpu.memory_space<vmem>>
    %dma_start3A_34 = tpu.memref_squeeze %dma_start3A_33 : memref<1x256xi32, #tpu.memory_space<vmem>> -> memref<256xi32, #tpu.memory_space<vmem>>
    %dma_start3A_35 = arith.constant 0 : i32
    %dma_start3A_36 = arith.constant 0 : i32
    %dma_start3A_37 = tpu.memref_slice %arg3[%dma_start3A_35, %dma_start3A_36] : memref<1000000x64xf32, #tpu.memory_space<hbm>> -> memref<1000000x64xf32, #tpu.memory_space<hbm>>
    tpu.enqueue_indirect_dma source(%dma_start3A_37 : memref<1000000x64xf32, #tpu.memory_space<hbm>>) target(%dma_start3A_31 : memref<256x64xf32, #tpu.memory_space<vmem>>) offsets(%dma_start3A_34 : memref<256xi32, #tpu.memory_space<vmem>>) semaphore(%arg9 : memref<!tpu.dma_semaphore, #tpu.memory_space<semaphore_mem>>)
    %dma_start3A_38 = arith.constant 3 : i32
    %dma_start3A_39 = arith.constant 3 : i32
    %dma_start3A_40 = arith.constant 0 : i32
    %dma_start3A_41 = arith.constant 0 : i32
    %dma_start3A_42 = tpu.memref_slice %arg6[%dma_start3A_39, %dma_start3A_40, %dma_start3A_41] : memref<5x256x64xf32, #tpu.memory_space<vmem>> -> memref<1x256x64xf32, #tpu.memory_space<vmem>>
    %dma_start3A_43 = tpu.memref_squeeze %dma_start3A_42 : memref<1x256x64xf32, #tpu.memory_space<vmem>> -> memref<256x64xf32, #tpu.memory_space<vmem>>
    %dma_start3A_44 = arith.constant 0 : i32
    %dma_start3A_45 = tpu.memref_slice %arg5[%dma_start3A_38, %dma_start3A_44] : memref<100x256xi32, #tpu.memory_space<vmem>> -> memref<1x256xi32, #tpu.memory_space<vmem>>
    %dma_start3A_46 = tpu.memref_squeeze %dma_start3A_45 : memref<1x256xi32, #tpu.memory_space<vmem>> -> memref<256xi32, #tpu.memory_space<vmem>>
    %dma_start3A_47 = arith.constant 0 : i32
    %dma_start3A_48 = arith.constant 0 : i32
    %dma_start3A_49 = tpu.memref_slice %arg3[%dma_start3A_47, %dma_start3A_48] : memref<1000000x64xf32, #tpu.memory_space<hbm>> -> memref<1000000x64xf32, #tpu.memory_space<hbm>>
    tpu.enqueue_indirect_dma source(%dma_start3A_49 : memref<1000000x64xf32, #tpu.memory_space<hbm>>) target(%dma_start3A_43 : memref<256x64xf32, #tpu.memory_space<vmem>>) offsets(%dma_start3A_46 : memref<256xi32, #tpu.memory_space<vmem>>) semaphore(%arg10 : memref<!tpu.dma_semaphore, #tpu.memory_space<semaphore_mem>>)
    %dma_start3A_50 = arith.constant 4 : i32
    %dma_start3A_51 = arith.constant 4 : i32
    %dma_start3A_52 = arith.constant 0 : i32
    %dma_start3A_53 = arith.constant 0 : i32
    %dma_start3A_54 = tpu.memref_slice %arg6[%dma_start3A_51, %dma_start3A_52, %dma_start3A_53] : memref<5x256x64xf32, #tpu.memory_space<vmem>> -> memref<1x256x64xf32, #tpu.memory_space<vmem>>
    %dma_start3A_55 = tpu.memref_squeeze %dma_start3A_54 : memref<1x256x64xf32, #tpu.memory_space<vmem>> -> memref<256x64xf32, #tpu.memory_space<vmem>>
    %dma_start3A_56 = arith.constant 0 : i32
    %dma_start3A_57 = tpu.memref_slice %arg5[%dma_start3A_50, %dma_start3A_56] : memref<100x256xi32, #tpu.memory_space<vmem>> -> memref<1x256xi32, #tpu.memory_space<vmem>>
    %dma_start3A_58 = tpu.memref_squeeze %dma_start3A_57 : memref<1x256xi32, #tpu.memory_space<vmem>> -> memref<256xi32, #tpu.memory_space<vmem>>
    %dma_start3A_59 = arith.constant 0 : i32
    %dma_start3A_60 = arith.constant 0 : i32
    %dma_start3A_61 = tpu.memref_slice %arg3[%dma_start3A_59, %dma_start3A_60] : memref<1000000x64xf32, #tpu.memory_space<hbm>> -> memref<1000000x64xf32, #tpu.memory_space<hbm>>
    tpu.enqueue_indirect_dma source(%dma_start3A_61 : memref<1000000x64xf32, #tpu.memory_space<hbm>>) target(%dma_start3A_55 : memref<256x64xf32, #tpu.memory_space<vmem>>) offsets(%dma_start3A_58 : memref<256xi32, #tpu.memory_space<vmem>>) semaphore(%arg11 : memref<!tpu.dma_semaphore, #tpu.memory_space<semaphore_mem>>)
    %scan3A = arith.constant 0 : i32
    %scan3A_62 = arith.constant 20 : i32
    %scan3A_63 = arith.addi %scan3A, %scan3A_62 : i32
    %scan3A_64 = arith.constant 1 : i32
    scf.for %scan3A_66 = %scan3A to %scan3A_63 step %scan3A_64  : i32 {
      %mul3A_67 = arith.constant 5 : i32
      %mul3A_68 = arith.muli %scan3A_66, %mul3A_67 : i32
      %add3A_69 = arith.constant 0 : i32
      %add3A_70 = arith.addi %mul3A_68, %add3A_69 : i32
      %dma_wait3A = arith.constant 0 : i32
      %dma_wait3A_71 = arith.constant 0 : i32
      %dma_wait3A_72 = arith.constant 0 : i32
      %dma_wait3A_73 = tpu.memref_slice %arg6[%dma_wait3A, %dma_wait3A_71, %dma_wait3A_72] : memref<5x256x64xf32, #tpu.memory_space<vmem>> -> memref<1x256x64xf32, #tpu.memory_space<vmem>>
      %dma_wait3A_74 = tpu.memref_squeeze %dma_wait3A_73 : memref<1x256x64xf32, #tpu.memory_space<vmem>> -> memref<256x64xf32, #tpu.memory_space<vmem>>
      %dma_wait3A_75 = arith.constant 0 : i32
      %dma_wait3A_76 = tpu.memref_slice %arg5[%add3A_70, %dma_wait3A_75] : memref<100x256xi32, #tpu.memory_space<vmem>> -> memref<1x256xi32, #tpu.memory_space<vmem>>
      %dma_wait3A_77 = tpu.memref_squeeze %dma_wait3A_76 : memref<1x256xi32, #tpu.memory_space<vmem>> -> memref<256xi32, #tpu.memory_space<vmem>>
      %dma_wait3A_78 = arith.constant 0 : i32
      %dma_wait3A_79 = arith.constant 0 : i32
      %dma_wait3A_80 = tpu.memref_slice %arg3[%dma_wait3A_78, %dma_wait3A_79] : memref<1000000x64xf32, #tpu.memory_space<hbm>> -> memref<1000000x64xf32, #tpu.memory_space<hbm>>
      tpu.wait_indirect_dma semaphore(%arg7 : memref<!tpu.dma_semaphore, #tpu.memory_space<semaphore_mem>>) src(%dma_wait3A_80 : memref<1000000x64xf32, #tpu.memory_space<hbm>>) dst(%dma_wait3A_74 : memref<256x64xf32, #tpu.memory_space<vmem>>)
      %add3A_81 = arith.addi %mul3A_2, %add3A_70 : i32
      %jit3A = arith.constant 64 : i32
      %div3A = arith.divsi %add3A_81, %jit3A : i32
      %sign3A = arith.constant 0 : i32
      %sign3A_82 = arith.cmpi sgt, %add3A_81, %sign3A : i32
      %sign3A_83 = arith.extui %sign3A_82 : i1 to i32
      %sign3A_84 = arith.constant 0 : i32
      %sign3A_85 = arith.cmpi slt, %add3A_81, %sign3A_84 : i32
      %sign3A_86 = arith.extui %sign3A_85 : i1 to i32
      %sign3A_87 = arith.subi %sign3A_83, %sign3A_86 : i32
      %sign3A_88 = arith.constant 0 : i32
      %sign3A_89 = arith.cmpi sgt, %jit3A, %sign3A_88 : i32
      %sign3A_90 = arith.extui %sign3A_89 : i1 to i32
      %sign3A_91 = arith.constant 0 : i32
      %sign3A_92 = arith.cmpi slt, %jit3A, %sign3A_91 : i32
      %sign3A_93 = arith.extui %sign3A_92 : i1 to i32
      %sign3A_94 = arith.subi %sign3A_90, %sign3A_93 : i32
      %ne3A = arith.cmpi ne, %sign3A_87, %sign3A_94 : i32
      %rem3A = arith.remsi %add3A_81, %jit3A : i32
      %ne3A_95 = arith.constant 0 : i32
      %ne3A_96 = arith.cmpi ne, %rem3A, %ne3A_95 : i32
      %and3A = arith.andi %ne3A, %ne3A_96 : i1
      %sub3A = arith.constant 1 : i32
      %sub3A_97 = arith.subi %div3A, %sub3A : i32
      %select_n3A = arith.select %and3A, %sub3A_97, %div3A : i32
      %jit3A_98 = arith.constant 64 : i32
      %eq3A = arith.constant 0 : i32
      %eq3A_99 = arith.cmpi eq, %jit3A_98, %eq3A : i32
      %jit3A_100 = arith.constant 1 : i32
      %select_n3A_101 = arith.select %eq3A_99, %jit3A_100, %jit3A_98 : i32
      %rem3A_102 = arith.remsi %add3A_81, %select_n3A_101 : i32
      %ne3A_103 = arith.constant 0 : i32
      %ne3A_104 = arith.cmpi ne, %rem3A_102, %ne3A_103 : i32
      %lt3A = arith.constant 0 : i32
      %lt3A_105 = arith.cmpi slt, %rem3A_102, %lt3A : i32
      %lt3A_106 = arith.constant 0 : i32
      %lt3A_107 = arith.cmpi slt, %select_n3A_101, %lt3A_106 : i32
      %ne3A_108 = arith.xori %lt3A_105, %lt3A_107 : i1
      %and3A_109 = arith.andi %ne3A_108, %ne3A_104 : i1
      %add3A_110 = arith.addi %rem3A_102, %select_n3A_101 : i32
      %select_n3A_111 = arith.select %and3A_109, %add3A_110, %rem3A_102 : i32
      %mul3A_112 = arith.constant 256 : i32
      %mul3A_113 = arith.muli %select_n3A_111, %mul3A_112 : i32
      %run_scoped3A = arith.constant 0 : i32
      "tpu.region"() ({
        %run_scoped3A_383 = tpu.sem_alloc : memref<!tpu.dma_semaphore, #tpu.memory_space<semaphore_mem>>
        %dma_start3A_384 = arith.constant 0 : i32
        %dma_start3A_385 = arith.constant 0 : i32
        %dma_start3A_386 = tpu.memref_slice %arg6[%run_scoped3A, %dma_start3A_384, %dma_start3A_385] : memref<5x256x64xf32, #tpu.memory_space<vmem>> -> memref<1x256x64xf32, #tpu.memory_space<vmem>>
        %dma_start3A_387 = tpu.memref_squeeze %dma_start3A_386 : memref<1x256x64xf32, #tpu.memory_space<vmem>> -> memref<256x64xf32, #tpu.memory_space<vmem>>
        %dma_start3A_388 = arith.constant 0 : i32
        %dma_start3A_389 = arith.constant 0 : i32
        %dma_start3A_390 = tpu.memref_slice %arg4[%select_n3A, %dma_start3A_388, %dma_start3A_389] : memref<50x16384x64xf32, #tpu.memory_space<hbm>> -> memref<1x16384x64xf32, #tpu.memory_space<hbm>>
        %dma_start3A_391 = tpu.memref_squeeze %dma_start3A_390 : memref<1x16384x64xf32, #tpu.memory_space<hbm>> -> memref<16384x64xf32, #tpu.memory_space<hbm>>
        %dma_start3A_392 = arith.constant 0 : i32
        %dma_start3A_393 = tpu.memref_slice %dma_start3A_391[%mul3A_113, %dma_start3A_392] : memref<16384x64xf32, #tpu.memory_space<hbm>> -> memref<256x64xf32, #tpu.memory_space<hbm>>
        %dma_start3A_394 = arith.constant 0 : i32
        %dma_start3A_395 = arith.constant 0 : i32
        %dma_start3A_396 = tpu.memref_slice %arg4[%select_n3A, %dma_start3A_394, %dma_start3A_395] : memref<50x16384x64xf32, #tpu.memory_space<hbm>> -> memref<1x16384x64xf32, #tpu.memory_space<hbm>>
        %dma_start3A_397 = tpu.memref_squeeze %dma_start3A_396 : memref<1x16384x64xf32, #tpu.memory_space<hbm>> -> memref<16384x64xf32, #tpu.memory_space<hbm>>
        %dma_start3A_398 = arith.constant 0 : i32
        %dma_start3A_399 = tpu.memref_slice %dma_start3A_397[%mul3A_113, %dma_start3A_398] : memref<16384x64xf32, #tpu.memory_space<hbm>> -> memref<256x64xf32, #tpu.memory_space<hbm>>
        %dma_start3A_400 = arith.constant 0 : i32
        %dma_start3A_401 = arith.constant 0 : i32
        %dma_start3A_402 = tpu.memref_slice %arg6[%run_scoped3A, %dma_start3A_400, %dma_start3A_401] : memref<5x256x64xf32, #tpu.memory_space<vmem>> -> memref<1x256x64xf32, #tpu.memory_space<vmem>>
        %dma_start3A_403 = tpu.memref_squeeze %dma_start3A_402 : memref<1x256x64xf32, #tpu.memory_space<vmem>> -> memref<256x64xf32, #tpu.memory_space<vmem>>
        tpu.enqueue_dma source(%dma_start3A_403 : memref<256x64xf32, #tpu.memory_space<vmem>>) target(%dma_start3A_399 : memref<256x64xf32, #tpu.memory_space<hbm>>) target_semaphore(%run_scoped3A_383 : memref<!tpu.dma_semaphore, #tpu.memory_space<semaphore_mem>>)
        %dma_wait3A_404 = arith.constant 0 : i32
        %dma_wait3A_405 = arith.constant 0 : i32
        %dma_wait3A_406 = tpu.memref_slice %arg6[%run_scoped3A, %dma_wait3A_404, %dma_wait3A_405] : memref<5x256x64xf32, #tpu.memory_space<vmem>> -> memref<1x256x64xf32, #tpu.memory_space<vmem>>
        %dma_wait3A_407 = tpu.memref_squeeze %dma_wait3A_406 : memref<1x256x64xf32, #tpu.memory_space<vmem>> -> memref<256x64xf32, #tpu.memory_space<vmem>>
        %dma_wait3A_408 = arith.constant 0 : i32
        %dma_wait3A_409 = arith.constant 0 : i32
        %dma_wait3A_410 = tpu.memref_slice %arg4[%select_n3A, %dma_wait3A_408, %dma_wait3A_409] : memref<50x16384x64xf32, #tpu.memory_space<hbm>> -> memref<1x16384x64xf32, #tpu.memory_space<hbm>>
        %dma_wait3A_411 = tpu.memref_squeeze %dma_wait3A_410 : memref<1x16384x64xf32, #tpu.memory_space<hbm>> -> memref<16384x64xf32, #tpu.memory_space<hbm>>
        %dma_wait3A_412 = arith.constant 0 : i32
        %dma_wait3A_413 = tpu.memref_slice %dma_wait3A_411[%mul3A_113, %dma_wait3A_412] : memref<16384x64xf32, #tpu.memory_space<hbm>> -> memref<256x64xf32, #tpu.memory_space<hbm>>
        %dma_wait3A_414 = arith.constant 0 : i32
        %dma_wait3A_415 = arith.constant 0 : i32
        %dma_wait3A_416 = tpu.memref_slice %arg4[%select_n3A, %dma_wait3A_414, %dma_wait3A_415] : memref<50x16384x64xf32, #tpu.memory_space<hbm>> -> memref<1x16384x64xf32, #tpu.memory_space<hbm>>
        %dma_wait3A_417 = tpu.memref_squeeze %dma_wait3A_416 : memref<1x16384x64xf32, #tpu.memory_space<hbm>> -> memref<16384x64xf32, #tpu.memory_space<hbm>>
        %dma_wait3A_418 = arith.constant 0 : i32
        %dma_wait3A_419 = tpu.memref_slice %dma_wait3A_417[%mul3A_113, %dma_wait3A_418] : memref<16384x64xf32, #tpu.memory_space<hbm>> -> memref<256x64xf32, #tpu.memory_space<hbm>>
        %dma_wait3A_420 = arith.constant 0 : i32
        %dma_wait3A_421 = arith.constant 0 : i32
        %dma_wait3A_422 = tpu.memref_slice %arg6[%run_scoped3A, %dma_wait3A_420, %dma_wait3A_421] : memref<5x256x64xf32, #tpu.memory_space<vmem>> -> memref<1x256x64xf32, #tpu.memory_space<vmem>>
        %dma_wait3A_423 = tpu.memref_squeeze %dma_wait3A_422 : memref<1x256x64xf32, #tpu.memory_space<vmem>> -> memref<256x64xf32, #tpu.memory_space<vmem>>
        tpu.wait_dma2 semaphore(%run_scoped3A_383 : memref<!tpu.dma_semaphore, #tpu.memory_space<semaphore_mem>>) src(%dma_wait3A_423 : memref<256x64xf32, #tpu.memory_space<vmem>>) dst(%dma_wait3A_419 : memref<256x64xf32, #tpu.memory_space<hbm>>)
        tpu.yield
      }) : () -> ()
      %add3A_114 = arith.constant 5 : i32
      %add3A_115 = arith.addi %add3A_70, %add3A_114 : i32
      %lt3A_116 = arith.constant 100 : i32
      %lt3A_117 = arith.cmpi slt, %add3A_115, %lt3A_116 : i32
      %convert_element_type3A = arith.extui %lt3A_117 : i1 to i32
      %cond3A = arith.constant 0 : i32
      %cond3A_118 = arith.cmpi ne, %convert_element_type3A, %cond3A : i32
      scf.if %cond3A_118 {
        %dma_start3A_383 = arith.constant 0 : i32
        %dma_start3A_384 = arith.constant 0 : i32
        %dma_start3A_385 = arith.constant 0 : i32
        %dma_start3A_386 = tpu.memref_slice %arg6[%dma_start3A_383, %dma_start3A_384, %dma_start3A_385] : memref<5x256x64xf32, #tpu.memory_space<vmem>> -> memref<1x256x64xf32, #tpu.memory_space<vmem>>
        %dma_start3A_387 = tpu.memref_squeeze %dma_start3A_386 : memref<1x256x64xf32, #tpu.memory_space<vmem>> -> memref<256x64xf32, #tpu.memory_space<vmem>>
        %dma_start3A_388 = arith.constant 0 : i32
        %dma_start3A_389 = tpu.memref_slice %arg5[%add3A_115, %dma_start3A_388] : memref<100x256xi32, #tpu.memory_space<vmem>> -> memref<1x256xi32, #tpu.memory_space<vmem>>
        %dma_start3A_390 = tpu.memref_squeeze %dma_start3A_389 : memref<1x256xi32, #tpu.memory_space<vmem>> -> memref<256xi32, #tpu.memory_space<vmem>>
        %dma_start3A_391 = arith.constant 0 : i32
        %dma_start3A_392 = arith.constant 0 : i32
        %dma_start3A_393 = tpu.memref_slice %arg3[%dma_start3A_391, %dma_start3A_392] : memref<1000000x64xf32, #tpu.memory_space<hbm>> -> memref<1000000x64xf32, #tpu.memory_space<hbm>>
        tpu.enqueue_indirect_dma source(%dma_start3A_393 : memref<1000000x64xf32, #tpu.memory_space<hbm>>) target(%dma_start3A_387 : memref<256x64xf32, #tpu.memory_space<vmem>>) offsets(%dma_start3A_390 : memref<256xi32, #tpu.memory_space<vmem>>) semaphore(%arg7 : memref<!tpu.dma_semaphore, #tpu.memory_space<semaphore_mem>>)
      } else {
      }
      %mul3A_119 = arith.constant 5 : i32
      %mul3A_120 = arith.muli %scan3A_66, %mul3A_119 : i32
      %add3A_121 = arith.constant 1 : i32
      %add3A_122 = arith.addi %mul3A_120, %add3A_121 : i32
      %dma_wait3A_123 = arith.constant 1 : i32
      %dma_wait3A_124 = arith.constant 0 : i32
      %dma_wait3A_125 = arith.constant 0 : i32
      %dma_wait3A_126 = tpu.memref_slice %arg6[%dma_wait3A_123, %dma_wait3A_124, %dma_wait3A_125] : memref<5x256x64xf32, #tpu.memory_space<vmem>> -> memref<1x256x64xf32, #tpu.memory_space<vmem>>
      %dma_wait3A_127 = tpu.memref_squeeze %dma_wait3A_126 : memref<1x256x64xf32, #tpu.memory_space<vmem>> -> memref<256x64xf32, #tpu.memory_space<vmem>>
      %dma_wait3A_128 = arith.constant 0 : i32
      %dma_wait3A_129 = tpu.memref_slice %arg5[%add3A_122, %dma_wait3A_128] : memref<100x256xi32, #tpu.memory_space<vmem>> -> memref<1x256xi32, #tpu.memory_space<vmem>>
      %dma_wait3A_130 = tpu.memref_squeeze %dma_wait3A_129 : memref<1x256xi32, #tpu.memory_space<vmem>> -> memref<256xi32, #tpu.memory_space<vmem>>
      %dma_wait3A_131 = arith.constant 0 : i32
      %dma_wait3A_132 = arith.constant 0 : i32
      %dma_wait3A_133 = tpu.memref_slice %arg3[%dma_wait3A_131, %dma_wait3A_132] : memref<1000000x64xf32, #tpu.memory_space<hbm>> -> memref<1000000x64xf32, #tpu.memory_space<hbm>>
      tpu.wait_indirect_dma semaphore(%arg8 : memref<!tpu.dma_semaphore, #tpu.memory_space<semaphore_mem>>) src(%dma_wait3A_133 : memref<1000000x64xf32, #tpu.memory_space<hbm>>) dst(%dma_wait3A_127 : memref<256x64xf32, #tpu.memory_space<vmem>>)
      %add3A_134 = arith.addi %mul3A_2, %add3A_122 : i32
      %jit3A_135 = arith.constant 64 : i32
      %div3A_136 = arith.divsi %add3A_134, %jit3A_135 : i32
      %sign3A_137 = arith.constant 0 : i32
      %sign3A_138 = arith.cmpi sgt, %add3A_134, %sign3A_137 : i32
      %sign3A_139 = arith.extui %sign3A_138 : i1 to i32
      %sign3A_140 = arith.constant 0 : i32
      %sign3A_141 = arith.cmpi slt, %add3A_134, %sign3A_140 : i32
      %sign3A_142 = arith.extui %sign3A_141 : i1 to i32
      %sign3A_143 = arith.subi %sign3A_139, %sign3A_142 : i32
      %sign3A_144 = arith.constant 0 : i32
      %sign3A_145 = arith.cmpi sgt, %jit3A_135, %sign3A_144 : i32
      %sign3A_146 = arith.extui %sign3A_145 : i1 to i32
      %sign3A_147 = arith.constant 0 : i32
      %sign3A_148 = arith.cmpi slt, %jit3A_135, %sign3A_147 : i32
      %sign3A_149 = arith.extui %sign3A_148 : i1 to i32
      %sign3A_150 = arith.subi %sign3A_146, %sign3A_149 : i32
      %ne3A_151 = arith.cmpi ne, %sign3A_143, %sign3A_150 : i32
      %rem3A_152 = arith.remsi %add3A_134, %jit3A_135 : i32
      %ne3A_153 = arith.constant 0 : i32
      %ne3A_154 = arith.cmpi ne, %rem3A_152, %ne3A_153 : i32
      %and3A_155 = arith.andi %ne3A_151, %ne3A_154 : i1
      %sub3A_156 = arith.constant 1 : i32
      %sub3A_157 = arith.subi %div3A_136, %sub3A_156 : i32
      %select_n3A_158 = arith.select %and3A_155, %sub3A_157, %div3A_136 : i32
      %jit3A_159 = arith.constant 64 : i32
      %eq3A_160 = arith.constant 0 : i32
      %eq3A_161 = arith.cmpi eq, %jit3A_159, %eq3A_160 : i32
      %jit3A_162 = arith.constant 1 : i32
      %select_n3A_163 = arith.select %eq3A_161, %jit3A_162, %jit3A_159 : i32
      %rem3A_164 = arith.remsi %add3A_134, %select_n3A_163 : i32
      %ne3A_165 = arith.constant 0 : i32
      %ne3A_166 = arith.cmpi ne, %rem3A_164, %ne3A_165 : i32
      %lt3A_167 = arith.constant 0 : i32
      %lt3A_168 = arith.cmpi slt, %rem3A_164, %lt3A_167 : i32
      %lt3A_169 = arith.constant 0 : i32
      %lt3A_170 = arith.cmpi slt, %select_n3A_163, %lt3A_169 : i32
      %ne3A_171 = arith.xori %lt3A_168, %lt3A_170 : i1
      %and3A_172 = arith.andi %ne3A_171, %ne3A_166 : i1
      %add3A_173 = arith.addi %rem3A_164, %select_n3A_163 : i32
      %select_n3A_174 = arith.select %and3A_172, %add3A_173, %rem3A_164 : i32
      %mul3A_175 = arith.constant 256 : i32
      %mul3A_176 = arith.muli %select_n3A_174, %mul3A_175 : i32
      %run_scoped3A_177 = arith.constant 1 : i32
      "tpu.region"() ({
        %run_scoped3A_383 = tpu.sem_alloc : memref<!tpu.dma_semaphore, #tpu.memory_space<semaphore_mem>>
        %dma_start3A_384 = arith.constant 0 : i32
        %dma_start3A_385 = arith.constant 0 : i32
        %dma_start3A_386 = tpu.memref_slice %arg6[%run_scoped3A_177, %dma_start3A_384, %dma_start3A_385] : memref<5x256x64xf32, #tpu.memory_space<vmem>> -> memref<1x256x64xf32, #tpu.memory_space<vmem>>
        %dma_start3A_387 = tpu.memref_squeeze %dma_start3A_386 : memref<1x256x64xf32, #tpu.memory_space<vmem>> -> memref<256x64xf32, #tpu.memory_space<vmem>>
        %dma_start3A_388 = arith.constant 0 : i32
        %dma_start3A_389 = arith.constant 0 : i32
        %dma_start3A_390 = tpu.memref_slice %arg4[%select_n3A_158, %dma_start3A_388, %dma_start3A_389] : memref<50x16384x64xf32, #tpu.memory_space<hbm>> -> memref<1x16384x64xf32, #tpu.memory_space<hbm>>
        %dma_start3A_391 = tpu.memref_squeeze %dma_start3A_390 : memref<1x16384x64xf32, #tpu.memory_space<hbm>> -> memref<16384x64xf32, #tpu.memory_space<hbm>>
        %dma_start3A_392 = arith.constant 0 : i32
        %dma_start3A_393 = tpu.memref_slice %dma_start3A_391[%mul3A_176, %dma_start3A_392] : memref<16384x64xf32, #tpu.memory_space<hbm>> -> memref<256x64xf32, #tpu.memory_space<hbm>>
        %dma_start3A_394 = arith.constant 0 : i32
        %dma_start3A_395 = arith.constant 0 : i32
        %dma_start3A_396 = tpu.memref_slice %arg4[%select_n3A_158, %dma_start3A_394, %dma_start3A_395] : memref<50x16384x64xf32, #tpu.memory_space<hbm>> -> memref<1x16384x64xf32, #tpu.memory_space<hbm>>
        %dma_start3A_397 = tpu.memref_squeeze %dma_start3A_396 : memref<1x16384x64xf32, #tpu.memory_space<hbm>> -> memref<16384x64xf32, #tpu.memory_space<hbm>>
        %dma_start3A_398 = arith.constant 0 : i32
        %dma_start3A_399 = tpu.memref_slice %dma_start3A_397[%mul3A_176, %dma_start3A_398] : memref<16384x64xf32, #tpu.memory_space<hbm>> -> memref<256x64xf32, #tpu.memory_space<hbm>>
        %dma_start3A_400 = arith.constant 0 : i32
        %dma_start3A_401 = arith.constant 0 : i32
        %dma_start3A_402 = tpu.memref_slice %arg6[%run_scoped3A_177, %dma_start3A_400, %dma_start3A_401] : memref<5x256x64xf32, #tpu.memory_space<vmem>> -> memref<1x256x64xf32, #tpu.memory_space<vmem>>
        %dma_start3A_403 = tpu.memref_squeeze %dma_start3A_402 : memref<1x256x64xf32, #tpu.memory_space<vmem>> -> memref<256x64xf32, #tpu.memory_space<vmem>>
        tpu.enqueue_dma source(%dma_start3A_403 : memref<256x64xf32, #tpu.memory_space<vmem>>) target(%dma_start3A_399 : memref<256x64xf32, #tpu.memory_space<hbm>>) target_semaphore(%run_scoped3A_383 : memref<!tpu.dma_semaphore, #tpu.memory_space<semaphore_mem>>)
        %dma_wait3A_404 = arith.constant 0 : i32
        %dma_wait3A_405 = arith.constant 0 : i32
        %dma_wait3A_406 = tpu.memref_slice %arg6[%run_scoped3A_177, %dma_wait3A_404, %dma_wait3A_405] : memref<5x256x64xf32, #tpu.memory_space<vmem>> -> memref<1x256x64xf32, #tpu.memory_space<vmem>>
        %dma_wait3A_407 = tpu.memref_squeeze %dma_wait3A_406 : memref<1x256x64xf32, #tpu.memory_space<vmem>> -> memref<256x64xf32, #tpu.memory_space<vmem>>
        %dma_wait3A_408 = arith.constant 0 : i32
        %dma_wait3A_409 = arith.constant 0 : i32
        %dma_wait3A_410 = tpu.memref_slice %arg4[%select_n3A_158, %dma_wait3A_408, %dma_wait3A_409] : memref<50x16384x64xf32, #tpu.memory_space<hbm>> -> memref<1x16384x64xf32, #tpu.memory_space<hbm>>
        %dma_wait3A_411 = tpu.memref_squeeze %dma_wait3A_410 : memref<1x16384x64xf32, #tpu.memory_space<hbm>> -> memref<16384x64xf32, #tpu.memory_space<hbm>>
        %dma_wait3A_412 = arith.constant 0 : i32
        %dma_wait3A_413 = tpu.memref_slice %dma_wait3A_411[%mul3A_176, %dma_wait3A_412] : memref<16384x64xf32, #tpu.memory_space<hbm>> -> memref<256x64xf32, #tpu.memory_space<hbm>>
        %dma_wait3A_414 = arith.constant 0 : i32
        %dma_wait3A_415 = arith.constant 0 : i32
        %dma_wait3A_416 = tpu.memref_slice %arg4[%select_n3A_158, %dma_wait3A_414, %dma_wait3A_415] : memref<50x16384x64xf32, #tpu.memory_space<hbm>> -> memref<1x16384x64xf32, #tpu.memory_space<hbm>>
        %dma_wait3A_417 = tpu.memref_squeeze %dma_wait3A_416 : memref<1x16384x64xf32, #tpu.memory_space<hbm>> -> memref<16384x64xf32, #tpu.memory_space<hbm>>
        %dma_wait3A_418 = arith.constant 0 : i32
        %dma_wait3A_419 = tpu.memref_slice %dma_wait3A_417[%mul3A_176, %dma_wait3A_418] : memref<16384x64xf32, #tpu.memory_space<hbm>> -> memref<256x64xf32, #tpu.memory_space<hbm>>
        %dma_wait3A_420 = arith.constant 0 : i32
        %dma_wait3A_421 = arith.constant 0 : i32
        %dma_wait3A_422 = tpu.memref_slice %arg6[%run_scoped3A_177, %dma_wait3A_420, %dma_wait3A_421] : memref<5x256x64xf32, #tpu.memory_space<vmem>> -> memref<1x256x64xf32, #tpu.memory_space<vmem>>
        %dma_wait3A_423 = tpu.memref_squeeze %dma_wait3A_422 : memref<1x256x64xf32, #tpu.memory_space<vmem>> -> memref<256x64xf32, #tpu.memory_space<vmem>>
        tpu.wait_dma2 semaphore(%run_scoped3A_383 : memref<!tpu.dma_semaphore, #tpu.memory_space<semaphore_mem>>) src(%dma_wait3A_423 : memref<256x64xf32, #tpu.memory_space<vmem>>) dst(%dma_wait3A_419 : memref<256x64xf32, #tpu.memory_space<hbm>>)
        tpu.yield
      }) : () -> ()
      %add3A_178 = arith.constant 5 : i32
      %add3A_179 = arith.addi %add3A_122, %add3A_178 : i32
      %lt3A_180 = arith.constant 100 : i32
      %lt3A_181 = arith.cmpi slt, %add3A_179, %lt3A_180 : i32
      %convert_element_type3A_182 = arith.extui %lt3A_181 : i1 to i32
      %cond3A_183 = arith.constant 0 : i32
      %cond3A_184 = arith.cmpi ne, %convert_element_type3A_182, %cond3A_183 : i32
      scf.if %cond3A_184 {
        %dma_start3A_383 = arith.constant 1 : i32
        %dma_start3A_384 = arith.constant 0 : i32
        %dma_start3A_385 = arith.constant 0 : i32
        %dma_start3A_386 = tpu.memref_slice %arg6[%dma_start3A_383, %dma_start3A_384, %dma_start3A_385] : memref<5x256x64xf32, #tpu.memory_space<vmem>> -> memref<1x256x64xf32, #tpu.memory_space<vmem>>
        %dma_start3A_387 = tpu.memref_squeeze %dma_start3A_386 : memref<1x256x64xf32, #tpu.memory_space<vmem>> -> memref<256x64xf32, #tpu.memory_space<vmem>>
        %dma_start3A_388 = arith.constant 0 : i32
        %dma_start3A_389 = tpu.memref_slice %arg5[%add3A_179, %dma_start3A_388] : memref<100x256xi32, #tpu.memory_space<vmem>> -> memref<1x256xi32, #tpu.memory_space<vmem>>
        %dma_start3A_390 = tpu.memref_squeeze %dma_start3A_389 : memref<1x256xi32, #tpu.memory_space<vmem>> -> memref<256xi32, #tpu.memory_space<vmem>>
        %dma_start3A_391 = arith.constant 0 : i32
        %dma_start3A_392 = arith.constant 0 : i32
        %dma_start3A_393 = tpu.memref_slice %arg3[%dma_start3A_391, %dma_start3A_392] : memref<1000000x64xf32, #tpu.memory_space<hbm>> -> memref<1000000x64xf32, #tpu.memory_space<hbm>>
        tpu.enqueue_indirect_dma source(%dma_start3A_393 : memref<1000000x64xf32, #tpu.memory_space<hbm>>) target(%dma_start3A_387 : memref<256x64xf32, #tpu.memory_space<vmem>>) offsets(%dma_start3A_390 : memref<256xi32, #tpu.memory_space<vmem>>) semaphore(%arg8 : memref<!tpu.dma_semaphore, #tpu.memory_space<semaphore_mem>>)
      } else {
      }
      %mul3A_185 = arith.constant 5 : i32
      %mul3A_186 = arith.muli %scan3A_66, %mul3A_185 : i32
      %add3A_187 = arith.constant 2 : i32
      %add3A_188 = arith.addi %mul3A_186, %add3A_187 : i32
      %dma_wait3A_189 = arith.constant 2 : i32
      %dma_wait3A_190 = arith.constant 0 : i32
      %dma_wait3A_191 = arith.constant 0 : i32
      %dma_wait3A_192 = tpu.memref_slice %arg6[%dma_wait3A_189, %dma_wait3A_190, %dma_wait3A_191] : memref<5x256x64xf32, #tpu.memory_space<vmem>> -> memref<1x256x64xf32, #tpu.memory_space<vmem>>
      %dma_wait3A_193 = tpu.memref_squeeze %dma_wait3A_192 : memref<1x256x64xf32, #tpu.memory_space<vmem>> -> memref<256x64xf32, #tpu.memory_space<vmem>>
      %dma_wait3A_194 = arith.constant 0 : i32
      %dma_wait3A_195 = tpu.memref_slice %arg5[%add3A_188, %dma_wait3A_194] : memref<100x256xi32, #tpu.memory_space<vmem>> -> memref<1x256xi32, #tpu.memory_space<vmem>>
      %dma_wait3A_196 = tpu.memref_squeeze %dma_wait3A_195 : memref<1x256xi32, #tpu.memory_space<vmem>> -> memref<256xi32, #tpu.memory_space<vmem>>
      %dma_wait3A_197 = arith.constant 0 : i32
      %dma_wait3A_198 = arith.constant 0 : i32
      %dma_wait3A_199 = tpu.memref_slice %arg3[%dma_wait3A_197, %dma_wait3A_198] : memref<1000000x64xf32, #tpu.memory_space<hbm>> -> memref<1000000x64xf32, #tpu.memory_space<hbm>>
      tpu.wait_indirect_dma semaphore(%arg9 : memref<!tpu.dma_semaphore, #tpu.memory_space<semaphore_mem>>) src(%dma_wait3A_199 : memref<1000000x64xf32, #tpu.memory_space<hbm>>) dst(%dma_wait3A_193 : memref<256x64xf32, #tpu.memory_space<vmem>>)
      %add3A_200 = arith.addi %mul3A_2, %add3A_188 : i32
      %jit3A_201 = arith.constant 64 : i32
      %div3A_202 = arith.divsi %add3A_200, %jit3A_201 : i32
      %sign3A_203 = arith.constant 0 : i32
      %sign3A_204 = arith.cmpi sgt, %add3A_200, %sign3A_203 : i32
      %sign3A_205 = arith.extui %sign3A_204 : i1 to i32
      %sign3A_206 = arith.constant 0 : i32
      %sign3A_207 = arith.cmpi slt, %add3A_200, %sign3A_206 : i32
      %sign3A_208 = arith.extui %sign3A_207 : i1 to i32
      %sign3A_209 = arith.subi %sign3A_205, %sign3A_208 : i32
      %sign3A_210 = arith.constant 0 : i32
      %sign3A_211 = arith.cmpi sgt, %jit3A_201, %sign3A_210 : i32
      %sign3A_212 = arith.extui %sign3A_211 : i1 to i32
      %sign3A_213 = arith.constant 0 : i32
      %sign3A_214 = arith.cmpi slt, %jit3A_201, %sign3A_213 : i32
      %sign3A_215 = arith.extui %sign3A_214 : i1 to i32
      %sign3A_216 = arith.subi %sign3A_212, %sign3A_215 : i32
      %ne3A_217 = arith.cmpi ne, %sign3A_209, %sign3A_216 : i32
      %rem3A_218 = arith.remsi %add3A_200, %jit3A_201 : i32
      %ne3A_219 = arith.constant 0 : i32
      %ne3A_220 = arith.cmpi ne, %rem3A_218, %ne3A_219 : i32
      %and3A_221 = arith.andi %ne3A_217, %ne3A_220 : i1
      %sub3A_222 = arith.constant 1 : i32
      %sub3A_223 = arith.subi %div3A_202, %sub3A_222 : i32
      %select_n3A_224 = arith.select %and3A_221, %sub3A_223, %div3A_202 : i32
      %jit3A_225 = arith.constant 64 : i32
      %eq3A_226 = arith.constant 0 : i32
      %eq3A_227 = arith.cmpi eq, %jit3A_225, %eq3A_226 : i32
      %jit3A_228 = arith.constant 1 : i32
      %select_n3A_229 = arith.select %eq3A_227, %jit3A_228, %jit3A_225 : i32
      %rem3A_230 = arith.remsi %add3A_200, %select_n3A_229 : i32
      %ne3A_231 = arith.constant 0 : i32
      %ne3A_232 = arith.cmpi ne, %rem3A_230, %ne3A_231 : i32
      %lt3A_233 = arith.constant 0 : i32
      %lt3A_234 = arith.cmpi slt, %rem3A_230, %lt3A_233 : i32
      %lt3A_235 = arith.constant 0 : i32
      %lt3A_236 = arith.cmpi slt, %select_n3A_229, %lt3A_235 : i32
      %ne3A_237 = arith.xori %lt3A_234, %lt3A_236 : i1
      %and3A_238 = arith.andi %ne3A_237, %ne3A_232 : i1
      %add3A_239 = arith.addi %rem3A_230, %select_n3A_229 : i32
      %select_n3A_240 = arith.select %and3A_238, %add3A_239, %rem3A_230 : i32
      %mul3A_241 = arith.constant 256 : i32
      %mul3A_242 = arith.muli %select_n3A_240, %mul3A_241 : i32
      %run_scoped3A_243 = arith.constant 2 : i32
      "tpu.region"() ({
        %run_scoped3A_383 = tpu.sem_alloc : memref<!tpu.dma_semaphore, #tpu.memory_space<semaphore_mem>>
        %dma_start3A_384 = arith.constant 0 : i32
        %dma_start3A_385 = arith.constant 0 : i32
        %dma_start3A_386 = tpu.memref_slice %arg6[%run_scoped3A_243, %dma_start3A_384, %dma_start3A_385] : memref<5x256x64xf32, #tpu.memory_space<vmem>> -> memref<1x256x64xf32, #tpu.memory_space<vmem>>
        %dma_start3A_387 = tpu.memref_squeeze %dma_start3A_386 : memref<1x256x64xf32, #tpu.memory_space<vmem>> -> memref<256x64xf32, #tpu.memory_space<vmem>>
        %dma_start3A_388 = arith.constant 0 : i32
        %dma_start3A_389 = arith.constant 0 : i32
        %dma_start3A_390 = tpu.memref_slice %arg4[%select_n3A_224, %dma_start3A_388, %dma_start3A_389] : memref<50x16384x64xf32, #tpu.memory_space<hbm>> -> memref<1x16384x64xf32, #tpu.memory_space<hbm>>
        %dma_start3A_391 = tpu.memref_squeeze %dma_start3A_390 : memref<1x16384x64xf32, #tpu.memory_space<hbm>> -> memref<16384x64xf32, #tpu.memory_space<hbm>>
        %dma_start3A_392 = arith.constant 0 : i32
        %dma_start3A_393 = tpu.memref_slice %dma_start3A_391[%mul3A_242, %dma_start3A_392] : memref<16384x64xf32, #tpu.memory_space<hbm>> -> memref<256x64xf32, #tpu.memory_space<hbm>>
        %dma_start3A_394 = arith.constant 0 : i32
        %dma_start3A_395 = arith.constant 0 : i32
        %dma_start3A_396 = tpu.memref_slice %arg4[%select_n3A_224, %dma_start3A_394, %dma_start3A_395] : memref<50x16384x64xf32, #tpu.memory_space<hbm>> -> memref<1x16384x64xf32, #tpu.memory_space<hbm>>
        %dma_start3A_397 = tpu.memref_squeeze %dma_start3A_396 : memref<1x16384x64xf32, #tpu.memory_space<hbm>> -> memref<16384x64xf32, #tpu.memory_space<hbm>>
        %dma_start3A_398 = arith.constant 0 : i32
        %dma_start3A_399 = tpu.memref_slice %dma_start3A_397[%mul3A_242, %dma_start3A_398] : memref<16384x64xf32, #tpu.memory_space<hbm>> -> memref<256x64xf32, #tpu.memory_space<hbm>>
        %dma_start3A_400 = arith.constant 0 : i32
        %dma_start3A_401 = arith.constant 0 : i32
        %dma_start3A_402 = tpu.memref_slice %arg6[%run_scoped3A_243, %dma_start3A_400, %dma_start3A_401] : memref<5x256x64xf32, #tpu.memory_space<vmem>> -> memref<1x256x64xf32, #tpu.memory_space<vmem>>
        %dma_start3A_403 = tpu.memref_squeeze %dma_start3A_402 : memref<1x256x64xf32, #tpu.memory_space<vmem>> -> memref<256x64xf32, #tpu.memory_space<vmem>>
        tpu.enqueue_dma source(%dma_start3A_403 : memref<256x64xf32, #tpu.memory_space<vmem>>) target(%dma_start3A_399 : memref<256x64xf32, #tpu.memory_space<hbm>>) target_semaphore(%run_scoped3A_383 : memref<!tpu.dma_semaphore, #tpu.memory_space<semaphore_mem>>)
        %dma_wait3A_404 = arith.constant 0 : i32
        %dma_wait3A_405 = arith.constant 0 : i32
        %dma_wait3A_406 = tpu.memref_slice %arg6[%run_scoped3A_243, %dma_wait3A_404, %dma_wait3A_405] : memref<5x256x64xf32, #tpu.memory_space<vmem>> -> memref<1x256x64xf32, #tpu.memory_space<vmem>>
        %dma_wait3A_407 = tpu.memref_squeeze %dma_wait3A_406 : memref<1x256x64xf32, #tpu.memory_space<vmem>> -> memref<256x64xf32, #tpu.memory_space<vmem>>
        %dma_wait3A_408 = arith.constant 0 : i32
        %dma_wait3A_409 = arith.constant 0 : i32
        %dma_wait3A_410 = tpu.memref_slice %arg4[%select_n3A_224, %dma_wait3A_408, %dma_wait3A_409] : memref<50x16384x64xf32, #tpu.memory_space<hbm>> -> memref<1x16384x64xf32, #tpu.memory_space<hbm>>
        %dma_wait3A_411 = tpu.memref_squeeze %dma_wait3A_410 : memref<1x16384x64xf32, #tpu.memory_space<hbm>> -> memref<16384x64xf32, #tpu.memory_space<hbm>>
        %dma_wait3A_412 = arith.constant 0 : i32
        %dma_wait3A_413 = tpu.memref_slice %dma_wait3A_411[%mul3A_242, %dma_wait3A_412] : memref<16384x64xf32, #tpu.memory_space<hbm>> -> memref<256x64xf32, #tpu.memory_space<hbm>>
        %dma_wait3A_414 = arith.constant 0 : i32
        %dma_wait3A_415 = arith.constant 0 : i32
        %dma_wait3A_416 = tpu.memref_slice %arg4[%select_n3A_224, %dma_wait3A_414, %dma_wait3A_415] : memref<50x16384x64xf32, #tpu.memory_space<hbm>> -> memref<1x16384x64xf32, #tpu.memory_space<hbm>>
        %dma_wait3A_417 = tpu.memref_squeeze %dma_wait3A_416 : memref<1x16384x64xf32, #tpu.memory_space<hbm>> -> memref<16384x64xf32, #tpu.memory_space<hbm>>
        %dma_wait3A_418 = arith.constant 0 : i32
        %dma_wait3A_419 = tpu.memref_slice %dma_wait3A_417[%mul3A_242, %dma_wait3A_418] : memref<16384x64xf32, #tpu.memory_space<hbm>> -> memref<256x64xf32, #tpu.memory_space<hbm>>
        %dma_wait3A_420 = arith.constant 0 : i32
        %dma_wait3A_421 = arith.constant 0 : i32
        %dma_wait3A_422 = tpu.memref_slice %arg6[%run_scoped3A_243, %dma_wait3A_420, %dma_wait3A_421] : memref<5x256x64xf32, #tpu.memory_space<vmem>> -> memref<1x256x64xf32, #tpu.memory_space<vmem>>
        %dma_wait3A_423 = tpu.memref_squeeze %dma_wait3A_422 : memref<1x256x64xf32, #tpu.memory_space<vmem>> -> memref<256x64xf32, #tpu.memory_space<vmem>>
        tpu.wait_dma2 semaphore(%run_scoped3A_383 : memref<!tpu.dma_semaphore, #tpu.memory_space<semaphore_mem>>) src(%dma_wait3A_423 : memref<256x64xf32, #tpu.memory_space<vmem>>) dst(%dma_wait3A_419 : memref<256x64xf32, #tpu.memory_space<hbm>>)
        tpu.yield
      }) : () -> ()
      %add3A_244 = arith.constant 5 : i32
      %add3A_245 = arith.addi %add3A_188, %add3A_244 : i32
      %lt3A_246 = arith.constant 100 : i32
      %lt3A_247 = arith.cmpi slt, %add3A_245, %lt3A_246 : i32
      %convert_element_type3A_248 = arith.extui %lt3A_247 : i1 to i32
      %cond3A_249 = arith.constant 0 : i32
      %cond3A_250 = arith.cmpi ne, %convert_element_type3A_248, %cond3A_249 : i32
      scf.if %cond3A_250 {
        %dma_start3A_383 = arith.constant 2 : i32
        %dma_start3A_384 = arith.constant 0 : i32
        %dma_start3A_385 = arith.constant 0 : i32
        %dma_start3A_386 = tpu.memref_slice %arg6[%dma_start3A_383, %dma_start3A_384, %dma_start3A_385] : memref<5x256x64xf32, #tpu.memory_space<vmem>> -> memref<1x256x64xf32, #tpu.memory_space<vmem>>
        %dma_start3A_387 = tpu.memref_squeeze %dma_start3A_386 : memref<1x256x64xf32, #tpu.memory_space<vmem>> -> memref<256x64xf32, #tpu.memory_space<vmem>>
        %dma_start3A_388 = arith.constant 0 : i32
        %dma_start3A_389 = tpu.memref_slice %arg5[%add3A_245, %dma_start3A_388] : memref<100x256xi32, #tpu.memory_space<vmem>> -> memref<1x256xi32, #tpu.memory_space<vmem>>
        %dma_start3A_390 = tpu.memref_squeeze %dma_start3A_389 : memref<1x256xi32, #tpu.memory_space<vmem>> -> memref<256xi32, #tpu.memory_space<vmem>>
        %dma_start3A_391 = arith.constant 0 : i32
        %dma_start3A_392 = arith.constant 0 : i32
        %dma_start3A_393 = tpu.memref_slice %arg3[%dma_start3A_391, %dma_start3A_392] : memref<1000000x64xf32, #tpu.memory_space<hbm>> -> memref<1000000x64xf32, #tpu.memory_space<hbm>>
        tpu.enqueue_indirect_dma source(%dma_start3A_393 : memref<1000000x64xf32, #tpu.memory_space<hbm>>) target(%dma_start3A_387 : memref<256x64xf32, #tpu.memory_space<vmem>>) offsets(%dma_start3A_390 : memref<256xi32, #tpu.memory_space<vmem>>) semaphore(%arg9 : memref<!tpu.dma_semaphore, #tpu.memory_space<semaphore_mem>>)
      } else {
      }
      %mul3A_251 = arith.constant 5 : i32
      %mul3A_252 = arith.muli %scan3A_66, %mul3A_251 : i32
      %add3A_253 = arith.constant 3 : i32
      %add3A_254 = arith.addi %mul3A_252, %add3A_253 : i32
      %dma_wait3A_255 = arith.constant 3 : i32
      %dma_wait3A_256 = arith.constant 0 : i32
      %dma_wait3A_257 = arith.constant 0 : i32
      %dma_wait3A_258 = tpu.memref_slice %arg6[%dma_wait3A_255, %dma_wait3A_256, %dma_wait3A_257] : memref<5x256x64xf32, #tpu.memory_space<vmem>> -> memref<1x256x64xf32, #tpu.memory_space<vmem>>
      %dma_wait3A_259 = tpu.memref_squeeze %dma_wait3A_258 : memref<1x256x64xf32, #tpu.memory_space<vmem>> -> memref<256x64xf32, #tpu.memory_space<vmem>>
      %dma_wait3A_260 = arith.constant 0 : i32
      %dma_wait3A_261 = tpu.memref_slice %arg5[%add3A_254, %dma_wait3A_260] : memref<100x256xi32, #tpu.memory_space<vmem>> -> memref<1x256xi32, #tpu.memory_space<vmem>>
      %dma_wait3A_262 = tpu.memref_squeeze %dma_wait3A_261 : memref<1x256xi32, #tpu.memory_space<vmem>> -> memref<256xi32, #tpu.memory_space<vmem>>
      %dma_wait3A_263 = arith.constant 0 : i32
      %dma_wait3A_264 = arith.constant 0 : i32
      %dma_wait3A_265 = tpu.memref_slice %arg3[%dma_wait3A_263, %dma_wait3A_264] : memref<1000000x64xf32, #tpu.memory_space<hbm>> -> memref<1000000x64xf32, #tpu.memory_space<hbm>>
      tpu.wait_indirect_dma semaphore(%arg10 : memref<!tpu.dma_semaphore, #tpu.memory_space<semaphore_mem>>) src(%dma_wait3A_265 : memref<1000000x64xf32, #tpu.memory_space<hbm>>) dst(%dma_wait3A_259 : memref<256x64xf32, #tpu.memory_space<vmem>>)
      %add3A_266 = arith.addi %mul3A_2, %add3A_254 : i32
      %jit3A_267 = arith.constant 64 : i32
      %div3A_268 = arith.divsi %add3A_266, %jit3A_267 : i32
      %sign3A_269 = arith.constant 0 : i32
      %sign3A_270 = arith.cmpi sgt, %add3A_266, %sign3A_269 : i32
      %sign3A_271 = arith.extui %sign3A_270 : i1 to i32
      %sign3A_272 = arith.constant 0 : i32
      %sign3A_273 = arith.cmpi slt, %add3A_266, %sign3A_272 : i32
      %sign3A_274 = arith.extui %sign3A_273 : i1 to i32
      %sign3A_275 = arith.subi %sign3A_271, %sign3A_274 : i32
      %sign3A_276 = arith.constant 0 : i32
      %sign3A_277 = arith.cmpi sgt, %jit3A_267, %sign3A_276 : i32
      %sign3A_278 = arith.extui %sign3A_277 : i1 to i32
      %sign3A_279 = arith.constant 0 : i32
      %sign3A_280 = arith.cmpi slt, %jit3A_267, %sign3A_279 : i32
      %sign3A_281 = arith.extui %sign3A_280 : i1 to i32
      %sign3A_282 = arith.subi %sign3A_278, %sign3A_281 : i32
      %ne3A_283 = arith.cmpi ne, %sign3A_275, %sign3A_282 : i32
      %rem3A_284 = arith.remsi %add3A_266, %jit3A_267 : i32
      %ne3A_285 = arith.constant 0 : i32
      %ne3A_286 = arith.cmpi ne, %rem3A_284, %ne3A_285 : i32
      %and3A_287 = arith.andi %ne3A_283, %ne3A_286 : i1
      %sub3A_288 = arith.constant 1 : i32
      %sub3A_289 = arith.subi %div3A_268, %sub3A_288 : i32
      %select_n3A_290 = arith.select %and3A_287, %sub3A_289, %div3A_268 : i32
      %jit3A_291 = arith.constant 64 : i32
      %eq3A_292 = arith.constant 0 : i32
      %eq3A_293 = arith.cmpi eq, %jit3A_291, %eq3A_292 : i32
      %jit3A_294 = arith.constant 1 : i32
      %select_n3A_295 = arith.select %eq3A_293, %jit3A_294, %jit3A_291 : i32
      %rem3A_296 = arith.remsi %add3A_266, %select_n3A_295 : i32
      %ne3A_297 = arith.constant 0 : i32
      %ne3A_298 = arith.cmpi ne, %rem3A_296, %ne3A_297 : i32
      %lt3A_299 = arith.constant 0 : i32
      %lt3A_300 = arith.cmpi slt, %rem3A_296, %lt3A_299 : i32
      %lt3A_301 = arith.constant 0 : i32
      %lt3A_302 = arith.cmpi slt, %select_n3A_295, %lt3A_301 : i32
      %ne3A_303 = arith.xori %lt3A_300, %lt3A_302 : i1
      %and3A_304 = arith.andi %ne3A_303, %ne3A_298 : i1
      %add3A_305 = arith.addi %rem3A_296, %select_n3A_295 : i32
      %select_n3A_306 = arith.select %and3A_304, %add3A_305, %rem3A_296 : i32
      %mul3A_307 = arith.constant 256 : i32
      %mul3A_308 = arith.muli %select_n3A_306, %mul3A_307 : i32
      %run_scoped3A_309 = arith.constant 3 : i32
      "tpu.region"() ({
        %run_scoped3A_383 = tpu.sem_alloc : memref<!tpu.dma_semaphore, #tpu.memory_space<semaphore_mem>>
        %dma_start3A_384 = arith.constant 0 : i32
        %dma_start3A_385 = arith.constant 0 : i32
        %dma_start3A_386 = tpu.memref_slice %arg6[%run_scoped3A_309, %dma_start3A_384, %dma_start3A_385] : memref<5x256x64xf32, #tpu.memory_space<vmem>> -> memref<1x256x64xf32, #tpu.memory_space<vmem>>
        %dma_start3A_387 = tpu.memref_squeeze %dma_start3A_386 : memref<1x256x64xf32, #tpu.memory_space<vmem>> -> memref<256x64xf32, #tpu.memory_space<vmem>>
        %dma_start3A_388 = arith.constant 0 : i32
        %dma_start3A_389 = arith.constant 0 : i32
        %dma_start3A_390 = tpu.memref_slice %arg4[%select_n3A_290, %dma_start3A_388, %dma_start3A_389] : memref<50x16384x64xf32, #tpu.memory_space<hbm>> -> memref<1x16384x64xf32, #tpu.memory_space<hbm>>
        %dma_start3A_391 = tpu.memref_squeeze %dma_start3A_390 : memref<1x16384x64xf32, #tpu.memory_space<hbm>> -> memref<16384x64xf32, #tpu.memory_space<hbm>>
        %dma_start3A_392 = arith.constant 0 : i32
        %dma_start3A_393 = tpu.memref_slice %dma_start3A_391[%mul3A_308, %dma_start3A_392] : memref<16384x64xf32, #tpu.memory_space<hbm>> -> memref<256x64xf32, #tpu.memory_space<hbm>>
        %dma_start3A_394 = arith.constant 0 : i32
        %dma_start3A_395 = arith.constant 0 : i32
        %dma_start3A_396 = tpu.memref_slice %arg4[%select_n3A_290, %dma_start3A_394, %dma_start3A_395] : memref<50x16384x64xf32, #tpu.memory_space<hbm>> -> memref<1x16384x64xf32, #tpu.memory_space<hbm>>
        %dma_start3A_397 = tpu.memref_squeeze %dma_start3A_396 : memref<1x16384x64xf32, #tpu.memory_space<hbm>> -> memref<16384x64xf32, #tpu.memory_space<hbm>>
        %dma_start3A_398 = arith.constant 0 : i32
        %dma_start3A_399 = tpu.memref_slice %dma_start3A_397[%mul3A_308, %dma_start3A_398] : memref<16384x64xf32, #tpu.memory_space<hbm>> -> memref<256x64xf32, #tpu.memory_space<hbm>>
        %dma_start3A_400 = arith.constant 0 : i32
        %dma_start3A_401 = arith.constant 0 : i32
        %dma_start3A_402 = tpu.memref_slice %arg6[%run_scoped3A_309, %dma_start3A_400, %dma_start3A_401] : memref<5x256x64xf32, #tpu.memory_space<vmem>> -> memref<1x256x64xf32, #tpu.memory_space<vmem>>
        %dma_start3A_403 = tpu.memref_squeeze %dma_start3A_402 : memref<1x256x64xf32, #tpu.memory_space<vmem>> -> memref<256x64xf32, #tpu.memory_space<vmem>>
        tpu.enqueue_dma source(%dma_start3A_403 : memref<256x64xf32, #tpu.memory_space<vmem>>) target(%dma_start3A_399 : memref<256x64xf32, #tpu.memory_space<hbm>>) target_semaphore(%run_scoped3A_383 : memref<!tpu.dma_semaphore, #tpu.memory_space<semaphore_mem>>)
        %dma_wait3A_404 = arith.constant 0 : i32
        %dma_wait3A_405 = arith.constant 0 : i32
        %dma_wait3A_406 = tpu.memref_slice %arg6[%run_scoped3A_309, %dma_wait3A_404, %dma_wait3A_405] : memref<5x256x64xf32, #tpu.memory_space<vmem>> -> memref<1x256x64xf32, #tpu.memory_space<vmem>>
        %dma_wait3A_407 = tpu.memref_squeeze %dma_wait3A_406 : memref<1x256x64xf32, #tpu.memory_space<vmem>> -> memref<256x64xf32, #tpu.memory_space<vmem>>
        %dma_wait3A_408 = arith.constant 0 : i32
        %dma_wait3A_409 = arith.constant 0 : i32
        %dma_wait3A_410 = tpu.memref_slice %arg4[%select_n3A_290, %dma_wait3A_408, %dma_wait3A_409] : memref<50x16384x64xf32, #tpu.memory_space<hbm>> -> memref<1x16384x64xf32, #tpu.memory_space<hbm>>
        %dma_wait3A_411 = tpu.memref_squeeze %dma_wait3A_410 : memref<1x16384x64xf32, #tpu.memory_space<hbm>> -> memref<16384x64xf32, #tpu.memory_space<hbm>>
        %dma_wait3A_412 = arith.constant 0 : i32
        %dma_wait3A_413 = tpu.memref_slice %dma_wait3A_411[%mul3A_308, %dma_wait3A_412] : memref<16384x64xf32, #tpu.memory_space<hbm>> -> memref<256x64xf32, #tpu.memory_space<hbm>>
        %dma_wait3A_414 = arith.constant 0 : i32
        %dma_wait3A_415 = arith.constant 0 : i32
        %dma_wait3A_416 = tpu.memref_slice %arg4[%select_n3A_290, %dma_wait3A_414, %dma_wait3A_415] : memref<50x16384x64xf32, #tpu.memory_space<hbm>> -> memref<1x16384x64xf32, #tpu.memory_space<hbm>>
        %dma_wait3A_417 = tpu.memref_squeeze %dma_wait3A_416 : memref<1x16384x64xf32, #tpu.memory_space<hbm>> -> memref<16384x64xf32, #tpu.memory_space<hbm>>
        %dma_wait3A_418 = arith.constant 0 : i32
        %dma_wait3A_419 = tpu.memref_slice %dma_wait3A_417[%mul3A_308, %dma_wait3A_418] : memref<16384x64xf32, #tpu.memory_space<hbm>> -> memref<256x64xf32, #tpu.memory_space<hbm>>
        %dma_wait3A_420 = arith.constant 0 : i32
        %dma_wait3A_421 = arith.constant 0 : i32
        %dma_wait3A_422 = tpu.memref_slice %arg6[%run_scoped3A_309, %dma_wait3A_420, %dma_wait3A_421] : memref<5x256x64xf32, #tpu.memory_space<vmem>> -> memref<1x256x64xf32, #tpu.memory_space<vmem>>
        %dma_wait3A_423 = tpu.memref_squeeze %dma_wait3A_422 : memref<1x256x64xf32, #tpu.memory_space<vmem>> -> memref<256x64xf32, #tpu.memory_space<vmem>>
        tpu.wait_dma2 semaphore(%run_scoped3A_383 : memref<!tpu.dma_semaphore, #tpu.memory_space<semaphore_mem>>) src(%dma_wait3A_423 : memref<256x64xf32, #tpu.memory_space<vmem>>) dst(%dma_wait3A_419 : memref<256x64xf32, #tpu.memory_space<hbm>>)
        tpu.yield
      }) : () -> ()
      %add3A_310 = arith.constant 5 : i32
      %add3A_311 = arith.addi %add3A_254, %add3A_310 : i32
      %lt3A_312 = arith.constant 100 : i32
      %lt3A_313 = arith.cmpi slt, %add3A_311, %lt3A_312 : i32
      %convert_element_type3A_314 = arith.extui %lt3A_313 : i1 to i32
      %cond3A_315 = arith.constant 0 : i32
      %cond3A_316 = arith.cmpi ne, %convert_element_type3A_314, %cond3A_315 : i32
      scf.if %cond3A_316 {
        %dma_start3A_383 = arith.constant 3 : i32
        %dma_start3A_384 = arith.constant 0 : i32
        %dma_start3A_385 = arith.constant 0 : i32
        %dma_start3A_386 = tpu.memref_slice %arg6[%dma_start3A_383, %dma_start3A_384, %dma_start3A_385] : memref<5x256x64xf32, #tpu.memory_space<vmem>> -> memref<1x256x64xf32, #tpu.memory_space<vmem>>
        %dma_start3A_387 = tpu.memref_squeeze %dma_start3A_386 : memref<1x256x64xf32, #tpu.memory_space<vmem>> -> memref<256x64xf32, #tpu.memory_space<vmem>>
        %dma_start3A_388 = arith.constant 0 : i32
        %dma_start3A_389 = tpu.memref_slice %arg5[%add3A_311, %dma_start3A_388] : memref<100x256xi32, #tpu.memory_space<vmem>> -> memref<1x256xi32, #tpu.memory_space<vmem>>
        %dma_start3A_390 = tpu.memref_squeeze %dma_start3A_389 : memref<1x256xi32, #tpu.memory_space<vmem>> -> memref<256xi32, #tpu.memory_space<vmem>>
        %dma_start3A_391 = arith.constant 0 : i32
        %dma_start3A_392 = arith.constant 0 : i32
        %dma_start3A_393 = tpu.memref_slice %arg3[%dma_start3A_391, %dma_start3A_392] : memref<1000000x64xf32, #tpu.memory_space<hbm>> -> memref<1000000x64xf32, #tpu.memory_space<hbm>>
        tpu.enqueue_indirect_dma source(%dma_start3A_393 : memref<1000000x64xf32, #tpu.memory_space<hbm>>) target(%dma_start3A_387 : memref<256x64xf32, #tpu.memory_space<vmem>>) offsets(%dma_start3A_390 : memref<256xi32, #tpu.memory_space<vmem>>) semaphore(%arg10 : memref<!tpu.dma_semaphore, #tpu.memory_space<semaphore_mem>>)
      } else {
      }
      %mul3A_317 = arith.constant 5 : i32
      %mul3A_318 = arith.muli %scan3A_66, %mul3A_317 : i32
      %add3A_319 = arith.constant 4 : i32
      %add3A_320 = arith.addi %mul3A_318, %add3A_319 : i32
      %dma_wait3A_321 = arith.constant 4 : i32
      %dma_wait3A_322 = arith.constant 0 : i32
      %dma_wait3A_323 = arith.constant 0 : i32
      %dma_wait3A_324 = tpu.memref_slice %arg6[%dma_wait3A_321, %dma_wait3A_322, %dma_wait3A_323] : memref<5x256x64xf32, #tpu.memory_space<vmem>> -> memref<1x256x64xf32, #tpu.memory_space<vmem>>
      %dma_wait3A_325 = tpu.memref_squeeze %dma_wait3A_324 : memref<1x256x64xf32, #tpu.memory_space<vmem>> -> memref<256x64xf32, #tpu.memory_space<vmem>>
      %dma_wait3A_326 = arith.constant 0 : i32
      %dma_wait3A_327 = tpu.memref_slice %arg5[%add3A_320, %dma_wait3A_326] : memref<100x256xi32, #tpu.memory_space<vmem>> -> memref<1x256xi32, #tpu.memory_space<vmem>>
      %dma_wait3A_328 = tpu.memref_squeeze %dma_wait3A_327 : memref<1x256xi32, #tpu.memory_space<vmem>> -> memref<256xi32, #tpu.memory_space<vmem>>
      %dma_wait3A_329 = arith.constant 0 : i32
      %dma_wait3A_330 = arith.constant 0 : i32
      %dma_wait3A_331 = tpu.memref_slice %arg3[%dma_wait3A_329, %dma_wait3A_330] : memref<1000000x64xf32, #tpu.memory_space<hbm>> -> memref<1000000x64xf32, #tpu.memory_space<hbm>>
      tpu.wait_indirect_dma semaphore(%arg11 : memref<!tpu.dma_semaphore, #tpu.memory_space<semaphore_mem>>) src(%dma_wait3A_331 : memref<1000000x64xf32, #tpu.memory_space<hbm>>) dst(%dma_wait3A_325 : memref<256x64xf32, #tpu.memory_space<vmem>>)
      %add3A_332 = arith.addi %mul3A_2, %add3A_320 : i32
      %jit3A_333 = arith.constant 64 : i32
      %div3A_334 = arith.divsi %add3A_332, %jit3A_333 : i32
      %sign3A_335 = arith.constant 0 : i32
      %sign3A_336 = arith.cmpi sgt, %add3A_332, %sign3A_335 : i32
      %sign3A_337 = arith.extui %sign3A_336 : i1 to i32
      %sign3A_338 = arith.constant 0 : i32
      %sign3A_339 = arith.cmpi slt, %add3A_332, %sign3A_338 : i32
      %sign3A_340 = arith.extui %sign3A_339 : i1 to i32
      %sign3A_341 = arith.subi %sign3A_337, %sign3A_340 : i32
      %sign3A_342 = arith.constant 0 : i32
      %sign3A_343 = arith.cmpi sgt, %jit3A_333, %sign3A_342 : i32
      %sign3A_344 = arith.extui %sign3A_343 : i1 to i32
      %sign3A_345 = arith.constant 0 : i32
      %sign3A_346 = arith.cmpi slt, %jit3A_333, %sign3A_345 : i32
      %sign3A_347 = arith.extui %sign3A_346 : i1 to i32
      %sign3A_348 = arith.subi %sign3A_344, %sign3A_347 : i32
      %ne3A_349 = arith.cmpi ne, %sign3A_341, %sign3A_348 : i32
      %rem3A_350 = arith.remsi %add3A_332, %jit3A_333 : i32
      %ne3A_351 = arith.constant 0 : i32
      %ne3A_352 = arith.cmpi ne, %rem3A_350, %ne3A_351 : i32
      %and3A_353 = arith.andi %ne3A_349, %ne3A_352 : i1
      %sub3A_354 = arith.constant 1 : i32
      %sub3A_355 = arith.subi %div3A_334, %sub3A_354 : i32
      %select_n3A_356 = arith.select %and3A_353, %sub3A_355, %div3A_334 : i32
      %jit3A_357 = arith.constant 64 : i32
      %eq3A_358 = arith.constant 0 : i32
      %eq3A_359 = arith.cmpi eq, %jit3A_357, %eq3A_358 : i32
      %jit3A_360 = arith.constant 1 : i32
      %select_n3A_361 = arith.select %eq3A_359, %jit3A_360, %jit3A_357 : i32
      %rem3A_362 = arith.remsi %add3A_332, %select_n3A_361 : i32
      %ne3A_363 = arith.constant 0 : i32
      %ne3A_364 = arith.cmpi ne, %rem3A_362, %ne3A_363 : i32
      %lt3A_365 = arith.constant 0 : i32
      %lt3A_366 = arith.cmpi slt, %rem3A_362, %lt3A_365 : i32
      %lt3A_367 = arith.constant 0 : i32
      %lt3A_368 = arith.cmpi slt, %select_n3A_361, %lt3A_367 : i32
      %ne3A_369 = arith.xori %lt3A_366, %lt3A_368 : i1
      %and3A_370 = arith.andi %ne3A_369, %ne3A_364 : i1
      %add3A_371 = arith.addi %rem3A_362, %select_n3A_361 : i32
      %select_n3A_372 = arith.select %and3A_370, %add3A_371, %rem3A_362 : i32
      %mul3A_373 = arith.constant 256 : i32
      %mul3A_374 = arith.muli %select_n3A_372, %mul3A_373 : i32
      %run_scoped3A_375 = arith.constant 4 : i32
      "tpu.region"() ({
        %run_scoped3A_383 = tpu.sem_alloc : memref<!tpu.dma_semaphore, #tpu.memory_space<semaphore_mem>>
        %dma_start3A_384 = arith.constant 0 : i32
        %dma_start3A_385 = arith.constant 0 : i32
        %dma_start3A_386 = tpu.memref_slice %arg6[%run_scoped3A_375, %dma_start3A_384, %dma_start3A_385] : memref<5x256x64xf32, #tpu.memory_space<vmem>> -> memref<1x256x64xf32, #tpu.memory_space<vmem>>
        %dma_start3A_387 = tpu.memref_squeeze %dma_start3A_386 : memref<1x256x64xf32, #tpu.memory_space<vmem>> -> memref<256x64xf32, #tpu.memory_space<vmem>>
        %dma_start3A_388 = arith.constant 0 : i32
        %dma_start3A_389 = arith.constant 0 : i32
        %dma_start3A_390 = tpu.memref_slice %arg4[%select_n3A_356, %dma_start3A_388, %dma_start3A_389] : memref<50x16384x64xf32, #tpu.memory_space<hbm>> -> memref<1x16384x64xf32, #tpu.memory_space<hbm>>
        %dma_start3A_391 = tpu.memref_squeeze %dma_start3A_390 : memref<1x16384x64xf32, #tpu.memory_space<hbm>> -> memref<16384x64xf32, #tpu.memory_space<hbm>>
        %dma_start3A_392 = arith.constant 0 : i32
        %dma_start3A_393 = tpu.memref_slice %dma_start3A_391[%mul3A_374, %dma_start3A_392] : memref<16384x64xf32, #tpu.memory_space<hbm>> -> memref<256x64xf32, #tpu.memory_space<hbm>>
        %dma_start3A_394 = arith.constant 0 : i32
        %dma_start3A_395 = arith.constant 0 : i32
        %dma_start3A_396 = tpu.memref_slice %arg4[%select_n3A_356, %dma_start3A_394, %dma_start3A_395] : memref<50x16384x64xf32, #tpu.memory_space<hbm>> -> memref<1x16384x64xf32, #tpu.memory_space<hbm>>
        %dma_start3A_397 = tpu.memref_squeeze %dma_start3A_396 : memref<1x16384x64xf32, #tpu.memory_space<hbm>> -> memref<16384x64xf32, #tpu.memory_space<hbm>>
        %dma_start3A_398 = arith.constant 0 : i32
        %dma_start3A_399 = tpu.memref_slice %dma_start3A_397[%mul3A_374, %dma_start3A_398] : memref<16384x64xf32, #tpu.memory_space<hbm>> -> memref<256x64xf32, #tpu.memory_space<hbm>>
        %dma_start3A_400 = arith.constant 0 : i32
        %dma_start3A_401 = arith.constant 0 : i32
        %dma_start3A_402 = tpu.memref_slice %arg6[%run_scoped3A_375, %dma_start3A_400, %dma_start3A_401] : memref<5x256x64xf32, #tpu.memory_space<vmem>> -> memref<1x256x64xf32, #tpu.memory_space<vmem>>
        %dma_start3A_403 = tpu.memref_squeeze %dma_start3A_402 : memref<1x256x64xf32, #tpu.memory_space<vmem>> -> memref<256x64xf32, #tpu.memory_space<vmem>>
        tpu.enqueue_dma source(%dma_start3A_403 : memref<256x64xf32, #tpu.memory_space<vmem>>) target(%dma_start3A_399 : memref<256x64xf32, #tpu.memory_space<hbm>>) target_semaphore(%run_scoped3A_383 : memref<!tpu.dma_semaphore, #tpu.memory_space<semaphore_mem>>)
        %dma_wait3A_404 = arith.constant 0 : i32
        %dma_wait3A_405 = arith.constant 0 : i32
        %dma_wait3A_406 = tpu.memref_slice %arg6[%run_scoped3A_375, %dma_wait3A_404, %dma_wait3A_405] : memref<5x256x64xf32, #tpu.memory_space<vmem>> -> memref<1x256x64xf32, #tpu.memory_space<vmem>>
        %dma_wait3A_407 = tpu.memref_squeeze %dma_wait3A_406 : memref<1x256x64xf32, #tpu.memory_space<vmem>> -> memref<256x64xf32, #tpu.memory_space<vmem>>
        %dma_wait3A_408 = arith.constant 0 : i32
        %dma_wait3A_409 = arith.constant 0 : i32
        %dma_wait3A_410 = tpu.memref_slice %arg4[%select_n3A_356, %dma_wait3A_408, %dma_wait3A_409] : memref<50x16384x64xf32, #tpu.memory_space<hbm>> -> memref<1x16384x64xf32, #tpu.memory_space<hbm>>
        %dma_wait3A_411 = tpu.memref_squeeze %dma_wait3A_410 : memref<1x16384x64xf32, #tpu.memory_space<hbm>> -> memref<16384x64xf32, #tpu.memory_space<hbm>>
        %dma_wait3A_412 = arith.constant 0 : i32
        %dma_wait3A_413 = tpu.memref_slice %dma_wait3A_411[%mul3A_374, %dma_wait3A_412] : memref<16384x64xf32, #tpu.memory_space<hbm>> -> memref<256x64xf32, #tpu.memory_space<hbm>>
        %dma_wait3A_414 = arith.constant 0 : i32
        %dma_wait3A_415 = arith.constant 0 : i32
        %dma_wait3A_416 = tpu.memref_slice %arg4[%select_n3A_356, %dma_wait3A_414, %dma_wait3A_415] : memref<50x16384x64xf32, #tpu.memory_space<hbm>> -> memref<1x16384x64xf32, #tpu.memory_space<hbm>>
        %dma_wait3A_417 = tpu.memref_squeeze %dma_wait3A_416 : memref<1x16384x64xf32, #tpu.memory_space<hbm>> -> memref<16384x64xf32, #tpu.memory_space<hbm>>
        %dma_wait3A_418 = arith.constant 0 : i32
        %dma_wait3A_419 = tpu.memref_slice %dma_wait3A_417[%mul3A_374, %dma_wait3A_418] : memref<16384x64xf32, #tpu.memory_space<hbm>> -> memref<256x64xf32, #tpu.memory_space<hbm>>
        %dma_wait3A_420 = arith.constant 0 : i32
        %dma_wait3A_421 = arith.constant 0 : i32
        %dma_wait3A_422 = tpu.memref_slice %arg6[%run_scoped3A_375, %dma_wait3A_420, %dma_wait3A_421] : memref<5x256x64xf32, #tpu.memory_space<vmem>> -> memref<1x256x64xf32, #tpu.memory_space<vmem>>
        %dma_wait3A_423 = tpu.memref_squeeze %dma_wait3A_422 : memref<1x256x64xf32, #tpu.memory_space<vmem>> -> memref<256x64xf32, #tpu.memory_space<vmem>>
        tpu.wait_dma2 semaphore(%run_scoped3A_383 : memref<!tpu.dma_semaphore, #tpu.memory_space<semaphore_mem>>) src(%dma_wait3A_423 : memref<256x64xf32, #tpu.memory_space<vmem>>) dst(%dma_wait3A_419 : memref<256x64xf32, #tpu.memory_space<hbm>>)
        tpu.yield
      }) : () -> ()
      %add3A_376 = arith.constant 5 : i32
      %add3A_377 = arith.addi %add3A_320, %add3A_376 : i32
      %lt3A_378 = arith.constant 100 : i32
      %lt3A_379 = arith.cmpi slt, %add3A_377, %lt3A_378 : i32
      %convert_element_type3A_380 = arith.extui %lt3A_379 : i1 to i32
      %cond3A_381 = arith.constant 0 : i32
      %cond3A_382 = arith.cmpi ne, %convert_element_type3A_380, %cond3A_381 : i32
      scf.if %cond3A_382 {
        %dma_start3A_383 = arith.constant 4 : i32
        %dma_start3A_384 = arith.constant 0 : i32
        %dma_start3A_385 = arith.constant 0 : i32
        %dma_start3A_386 = tpu.memref_slice %arg6[%dma_start3A_383, %dma_start3A_384, %dma_start3A_385] : memref<5x256x64xf32, #tpu.memory_space<vmem>> -> memref<1x256x64xf32, #tpu.memory_space<vmem>>
        %dma_start3A_387 = tpu.memref_squeeze %dma_start3A_386 : memref<1x256x64xf32, #tpu.memory_space<vmem>> -> memref<256x64xf32, #tpu.memory_space<vmem>>
        %dma_start3A_388 = arith.constant 0 : i32
        %dma_start3A_389 = tpu.memref_slice %arg5[%add3A_377, %dma_start3A_388] : memref<100x256xi32, #tpu.memory_space<vmem>> -> memref<1x256xi32, #tpu.memory_space<vmem>>
        %dma_start3A_390 = tpu.memref_squeeze %dma_start3A_389 : memref<1x256xi32, #tpu.memory_space<vmem>> -> memref<256xi32, #tpu.memory_space<vmem>>
        %dma_start3A_391 = arith.constant 0 : i32
        %dma_start3A_392 = arith.constant 0 : i32
        %dma_start3A_393 = tpu.memref_slice %arg3[%dma_start3A_391, %dma_start3A_392] : memref<1000000x64xf32, #tpu.memory_space<hbm>> -> memref<1000000x64xf32, #tpu.memory_space<hbm>>
        tpu.enqueue_indirect_dma source(%dma_start3A_393 : memref<1000000x64xf32, #tpu.memory_space<hbm>>) target(%dma_start3A_387 : memref<256x64xf32, #tpu.memory_space<vmem>>) offsets(%dma_start3A_390 : memref<256xi32, #tpu.memory_space<vmem>>) semaphore(%arg11 : memref<!tpu.dma_semaphore, #tpu.memory_space<semaphore_mem>>)
      } else {
      }
    }
    %scan3A_65 = arith.constant 20 : i32
    return
  }
}

</mosaic_0001>

<sc_bundles>
// kernel: kernel.3.cloned.1.call-start
scs
__scs_entry_jumppad:
0x0: {  	(pc) =	sbr.rel $0x88, $3  }
0x1: {  	(tag) =	ssettag $0x0;
	lr =	simm.s32 $0x1  }
0x2: {  	[smem:$0x3F9F] =	sst lr;
	_ =	strace $0xD0000000  }
0x3: {  	_ = 	snop  }
0x4: {  	_ = 	snop  }
0x5: {  	_ = 	snop  }
0x6: {  	_ = 	snop  }
0x7: {  	_ = 	snop  }
__scs_overlays_trampoline_lowered:
0x8: {  	[smem:$0x3FAE] =	sst s0  }
0x9: {  	[smem:$0x3FAF] =	sst s1  }
0xa: {  	[smem:$0x3FB0] =	sst s2  }
0xb: {  	[smem:$0x3FB1] =	sst s3  }
0xc: {  	[smem:$0x3FB2] =	sst s4  }
0xd: {  	[smem:$0x3FB3] =	sst s5  }
0xe: {  	[smem:$0x3FB4] =	sst s6  }
0xf: {  	[smem:$0x3FB5] =	sst s7  }
0x10: {  	[smem:$0x3FB6] =	sst s8  }
0x11: {  	[smem:$0x3FB7] =	sst s9;
	s0 =	simm.s32 @!p0 $0x0  }
0x12: {  	s1 =	sld [smem:$0x3F9D];
	s0 =	simm.s32 @p0 $0x1  }
0x13: {  	[smem:$0x3FB8] =	sst s0;
	s0 =	simm.s32 @!p1 $0x0  }
0x14: {  	s2 =	sld [smem:$0x3F9C];
	s0 =	simm.s32 @p1 $0x1  }
0x15: {  	[smem:$0x3FB9] =	sst s0;
	s0 =	simm.s32 @!p2 $0x0  }
0x16: {  	s3 =	sld [smem:$0x3FDB];
	s0 =	simm.s32 @p2 $0x1  }
0x17: {  	s4 =	simm.s32 $0x1BF5;
	[smem:$0x3FBB] =	sst s0  }
0x18: {  	s0 =	sld [smem:$0x3F9E];
	_ =	swait.ge [sflag:s4], $0x0  }
0x19: {  	s7 =	sld [smem:$0x3F9F]  }
0x1a: {  	s8 =	sadd.s32 $0xFFFFE003, lr  }
0x1b: {  	s9 =	sadd.s32 $0xFFFFFEF7, lr;
	s5 =	simm.s32 $0xFFFFFFFF;
	p2 =	slt.u32 s8, $0xFFFFF086  }
0x1c: {  	p1 =	slt.u32 s9, $0xF7A;
	s5 =	simm.s32 @!p2 $0x0  }
0x1d: {  	s5 =	simm.s32 @p1 $0x1;
	p0 =	seq.s32 s7, s2  }
0x1e: {  	s7 =	smul.u32 @!p0 $0xF7A, s2;
	p2 =	seq.s32 @!p0 s5, $0x0  }
0x1f: {  	s9 =	smul.u32 $0xF7A, s1;
	s8 =	simm.s32 @!p0 $0x1BF5;
	p2 =	por !p2, p0  }
0x20: {  	[sflag:s8] =	ssyncset.s32 @!p0 $0xFFFFF086;
	s6 =	sadd.s32 @!p0 s3, s7;
	s7 =	simm.s32 @!p0 $0x108  }
0x21: {  	s3 =	sadd.s32 s3, s9;
	s6 =	sadd.s32 @!p0 $0x88, s6;
	s7 =	simm.s32 @p2 $0x1082  }
0x22: {  	[simem:s7], [sflag:s8] =	dma.local @!p0 [hbm:s6], $0xF7A  }
0x23: {  	s9 =	sor.u32 $0xD0000000, s2;
	s6 =	simm.s32 $0x108;
	_ =	swait.ge @!p0 [sflag:s8], $0x0  }
0x24: {  	s3 =	sadd.s32 $0x88, s3;
	s6 =	simm.s32 @!p1 $0x1082;
	[sflag:s4] =	ssyncset.s32 $0xFFFFF086  }
0x25: {  	[simem:s6], [sflag:s4] =	dma.local [hbm:s3], $0xF7A  }
0x26: {  	[smem:$0x3F9F] =	sst s1;
	(tag) =	ssettag s2;
	_ =	strace s9  }
0x27: {  	s1 =	sld [smem:$0x3FAF]  }
0x28: {  	s2 =	sld [smem:$0x3FB0]  }
0x29: {  	s4 =	sld [smem:$0x3FB2]  }
0x2a: {  	p0 =	seq.s32 s5, $0x0;
	s5 =	sld [smem:$0x3FB3]  }
0x2b: {  	s6 =	sld [smem:$0x3FB4]  }
0x2c: {  	s7 =	sld [smem:$0x3FB5]  }
0x2d: {  	s3 =	simm.s32 $0x108;
	s8 =	sld [smem:$0x3FB6]  }
0x2e: {  	s3 =	simm.s32 @!p0 $0x1082;
	s9 =	sld [smem:$0x3FB7]  }
0x2f: {  	lr =	sadd.s32 s0, s3;
	s0 =	sld [smem:$0x3FAE]  }
0x30: {  	s3 =	sld [smem:$0x3FB1]  }
0x31: {  	[smem:$0x3FBA] =	sst s10  }
0x32: {  	s10 =	sld [smem:$0x3FB8];
	_ =	sdelay $0x3  }
0x33: {  	p0 =	seq.s32 s10, $0x1;
	s10 =	sld [smem:$0x3FBA];
	_ =	sdelay $0x3  }
0x34: {  	[smem:$0x3FBA] =	sst s10  }
0x35: {  	s10 =	sld [smem:$0x3FB9];
	_ =	sdelay $0x3  }
0x36: {  	p1 =	seq.s32 s10, $0x1;
	s10 =	sld [smem:$0x3FBA];
	_ =	sdelay $0x3  }
0x37: {  	[smem:$0x3FBA] =	sst s10  }
0x38: {  	s10 =	sld [smem:$0x3FBB]  }
0x39: {  	_ = 	snop;
	(pc) =	sbr.ind lr, $3  }
0x3a: {  	_ = 	snop  }
0x3b: {  	_ = 	snop  }
0x3c: {  	p2 =	seq.s32 s10, $0x1;
	s10 =	sld [smem:$0x3FBA]  }
0x3d: {  	_ =	shalt  }
0x3e: {  	_ =	shalt  }
0x3f: {  	_ =	shalt  }
0x40: {  	_ =	shalt  }
0x41: {  	_ =	shalt  }
0x42: {  	_ =	shalt  }
0x43: {  	_ =	shalt  }
0x44: {  	_ =	shalt  }
0x45: {  	_ =	shalt  }
0x46: {  	_ =	shalt  }
0x47: {  	_ =	shalt  }
0x48: {  	_ =	shalt  }
0x49: {  	_ =	shalt  }
0x4a: {  	_ =	shalt  }
0x4b: {  	_ =	shalt  }
0x4c: {  	_ =	shalt  }
0x4d: {  	_ =	shalt  }
0x4e: {  	_ =	shalt  }
0x4f: {  	_ =	shalt  }
0x50: {  	_ =	shalt  }
0x51: {  	_ =	shalt  }
0x52: {  	_ =	shalt  }
0x53: {  	_ =	shalt  }
0x54: {  	_ =	shalt  }
0x55: {  	_ =	shalt  }
0x56: {  	_ =	shalt  }
0x57: {  	_ =	shalt  }
0x58: {  	_ =	shalt  }
0x59: {  	_ =	shalt  }
0x5a: {  	_ =	shalt  }
0x5b: {  	_ =	shalt  }
0x5c: {  	_ =	shalt  }
0x5d: {  	_ =	shalt  }
0x5e: {  	_ =	shalt  }
0x5f: {  	_ =	shalt  }
0x60: {  	_ =	shalt  }
0x61: {  	_ =	shalt  }
0x62: {  	_ =	shalt  }
0x63: {  	_ =	shalt  }
0x64: {  	_ =	shalt  }
0x65: {  	_ =	shalt  }
0x66: {  	_ =	shalt  }
0x67: {  	_ =	shalt  }
0x68: {  	_ =	shalt  }
0x69: {  	_ =	shalt  }
0x6a: {  	_ =	shalt  }
0x6b: {  	_ =	shalt  }
0x6c: {  	_ =	shalt  }
0x6d: {  	_ =	shalt  }
0x6e: {  	_ =	shalt  }
0x6f: {  	_ =	shalt  }
0x70: {  	_ =	shalt  }
0x71: {  	_ =	shalt  }
0x72: {  	_ =	shalt  }
0x73: {  	_ =	shalt  }
0x74: {  	_ =	shalt  }
0x75: {  	_ =	shalt  }
0x76: {  	_ =	shalt  }
0x77: {  	_ =	shalt  }
0x78: {  	_ =	shalt  }
0x79: {  	_ =	shalt  }
0x7a: {  	_ =	shalt  }
0x7b: {  	_ =	shalt  }
0x7c: {  	_ =	shalt  }
0x7d: {  	_ =	shalt  }
0x7e: {  	_ =	shalt  }
0x7f: {  	_ =	shalt  }
0x80: {  	_ =	shalt  }
0x81: {  	_ =	shalt  }
0x82: {  	_ =	shalt  }
0x83: {  	_ =	shalt  }
0x84: {  	_ =	shalt  }
0x85: {  	_ =	shalt  }
0x86: {  	_ =	shalt  }
0x87: {  	_ =	shalt  }
.Lfunc_end0:
.L_simem_size_0:
called_computation.1_lowered:
.L_overlay_start_0:
0x88: {  	s2 =	sld [smem:$0x3FD9]  }
0x89: {  	s3 =	sld [smem:$0x3FFE];
	_ =	sdelay $0x1  }
0x8a: {  	s1 =	srdreg.scid  }
0x8b: {  	s0 =	sand.u32 $0x1, s1  }
0x8c: {  	s17 =	sshll.u32 s0, $0xA;
	s2 =	sadd.s32 s3, s2  }
0x8d: {  	s2 =	sadd.s32 s2, s17  }
0x8e: {  	[smem:$0x3FC6] =	sst s2  }
0x8f: {  	_ = 	snop  }
0x90: {  	s2 =	sld [smem:$0x3FD0];
	(tm) =	ssettm $0x1  }
0x91: {  	s18 =	sld [smem:$0x3FFB];
	_ =	sdelay $0x3  }
0x92: {  	_ =	strace s18  }
0x93: {  	s3 =	sld [smem:$0x3FFC];
	_ =	sdelay $0x3  }
0x94: {  	_ =	strace s3  }
0x95: {  	s3 =	sld [smem:$0x3FFD];
	_ =	sdelay $0x3  }
0x96: {  	_ =	strace s3  }
0x97: {  	_ =	strace $0x8FFFFFFF  }
0x98: {  	s19 =	sld [smem:$0x3FDB];
	_ =	sdelay $0x1  }
0x99: {  	s4 =	simm.s32 $_scs_section_size  }
0x9a: {  	s5 =	simm.s32 $_size__tile_overlayer_lowered;
	s6 =	simm.s32 $_tile_overlayer_lowered  }
0x9b: {  	s22 =	simm.s32 $0x1BFF;
	s21 =	sshll.u32 s6, $0x1;
	s3 =	sadd.s32 s4, s19  }
0x9c: {  	s7 =	simm.s32 $0x0;
	s20 =	sshll.u32 s5, $0x1;
	s5 =	sadd.s32 s21, s3  }
0x9d: {  	[timem:s7], [sflag:s22] =	dma.local [hbm:s5], s20  }
0x9e: {  	_ =	swait.ge [sflag:s22], s20  }
0x9f: {  	s4 =	ssub.s32 $0x0, s20;
	[sflag:s22] =	ssyncset.done $0x0  }
0xa0: {  	[sflag:s22] =	ssyncadd.s32 s4;
	_ =	sdelay $0x1  }
0xa1: {  	s23 =	simm.s32 $0x1B8B  }
0xa2: {  	_ =	swait.ge [sflag:s23], $0x1  }
0xa3: {  	[sflag:s23] =	ssyncset.done $0x0  }
0xa4: {  	s25 =	simm.s32 $0x1B8E;
	s24 =	sld [smem:$0x3FFE];
	[sflag:s23] =	ssyncadd.s32 $0xFFFFFFFF  }
0xa5: {  	s26 =	simm.s32 $execute0_lowered;
	[smem:$0x3FD2] =	sst s25  }
0xa6: {  	s5 =	sshll.u32 s26, $0x1;
	_ =	strace $0x80000046;
	[dreg:$0x1] =	wrdreg $0xFFFFFFFF  }
0xa7: {  	s28 =	simm.s32 $_size_execute0_lowered;
	s3 =	sadd.s32 s3, s5;
	[dreg:$0x0] =	wrdreg $0x0  }
0xa8: {  	s5 =	sshll.u32 s28, $0x1;
	[dreg:$0x2] =	wrdreg s3  }
0xa9: {  	[dreg:$0x3] =	wrdreg s5  }
0xaa: {  	[dreg:$0x4] =	wrdreg $0xC0  }
0xab: {  	_ =	task [dreg:s7], $0x5FFFF  }
0xac: {  	[dreg:$0x1] =	wrdreg $0xFFFFFFFF  }
0xad: {  	[dreg:$0x0] =	wrdreg $0x60  }
0xae: {  	[dreg:$0x2] =	wrdreg s24  }
0xaf: {  	[dreg:$0x3] =	wrdreg s2  }
0xb0: {  	[dreg:$0x4] =	wrdreg $0x9  }
0xb1: {  	_ =	task.clear_ibuf [dreg:s7], $0x5FFFF;
	_ =	strace $0x90000046  }
0xb2: {  	s29 =	simm.s32 $0x9;
	_ =	strace $0x80000048  }
0xb3: {  	_ =	swait.ge [sflag:s29], $0x1  }
0xb4: {  	[sflag:s29] =	ssyncadd.s32 $0xFFFFFFFF  }
0xb5: {  	_ =	strace $0x90000048  }
0xb6: {  	_ =	sfence  }
0xb7: {  	s30 =	sld [smem:$0x0];
	_ =	sdelay $0x2  }
0xb8: {  	s31 =	sshll.u32 s1, $0xD;
	s1 =	sshrl.u32 s1, $0x2  }
0xb9: {  	s3 =	sand.u32 $0x4000, s31;
	s1 =	sadd.s32 s1, s30  }
0xba: {  	s0 =	sor.u32 s3, s0;
	s1 =	sshll.u32 s1, $0x11  }
0xbb: {  	s0 =	sor.u32 s1, s0  }
0xbc: {  	s0 =	sadd.s32 $0x8F2B, s0  }
0xbd: {  	[sflag:s0] =	ssyncadd.remote.s32 $0x1  }
0xbe: {  	_ =	sfence.sel $0xFFFF  }
0xbf: {  	[dreg:$0x0] =	wrdreg $0xFFFFFFFF;
	(pc) =	sbr.abs _section_cstart, $3  }
0xc0: {  	[dreg:$0x1] =	wrdreg $0xFFFFFFFF  }
0xc1: {  	_ =	task.clear_ibuf [dreg:s7], $0x2FFFF;
	_ =	strace $0x9FFFFFFF  }
0xc2: {  	(tm) =	ssettm $0x7FFFFFFF  }
0xc3: {  	_ =	shalt  }
tec
execute0_lowered:
.L_overlay_start_1:
0x0: {  	(tag) =	ssettag $0x1  }
0x1: {  	s4 =	rddreg [dreg:$0x0]  }
0x2: {  	s1 =	srdreg.scid;
	s0 =	stileid.u32  }
0x3: {  	s2 =	rddreg [dreg:$0x1];
	s3 =	simm.s32 $0x0;
	s11 =	simm.s32 $0xA400  }
0x4: {  	s12 =	simm.s32 $0x200;
	s13 =	simm.s32 $0xE400;
	s14 =	simm.s32 $0x300  }
0x5: {  	s15 =	simm.s32 $0x12400;
	s16 =	simm.s32 $0x400;
	s17 =	simm.s32 $0x16400  }
0x6: {  	s18 =	simm.s32 $0x1;
	s19 =	simm.s32 $0x2;
	s20 =	simm.s32 $0x3  }
0x7: {  	s21 =	simm.s32 $0x4;
	s5 =	sand.u32 $0x1, s1;
	s6 =	sshll.u32 s0, $0x1  }
0x8: {  	s22 =	simm.s32 $0x5;
	s8 =	smul.u32 $0x64000, s0;
	s6 =	sor.u32 s5, s6  }
0x9: {  	s23 =	simm.s32 $0x0;
	s1 =	rddreg [dreg:$0x2];
	s6 =	smul.u32 $0xC80, s6  }
.Ltmp0:
0xa: {  	[smem:$0x7FF] =	sst s3;
	s7 =	ssub.s32 $0x2, s5;
	(pc) =	sbr.rel .LBB2_1-.Ltmp0, $4  }
0xb: {  	_ =	strace $0x80000047;
	s10 =	smul.u32 $0x32000, s5;
	s9 =	sshrl.u32 s7, $0x1  }
0xc: {  	s7 =	ssub.s32 s7, s9;
	s9 =	simm.s32 $0x100;
	s6 =	sadd.s32 s6, s4  }
0xd: {  	s4 =	sadd.s32 $0xF42E00, s4;
	s5 =	sadd.s32 $0xA00, s6;
	s6 =	smax.u32 s7, $0x1  }
0xe: {  	s7 =	sadd.s32 s10, s8;
	s8 =	simm.s32 $0x6;
	s10 =	simm.s32 $0x6400  }
.LBB2_4:
0xf: {  	s23 =	sadd.s32 $0x1, s23  }
0x10: {  	p0 =	sne.s32 s23, s6  }
.Ltmp1:
0x11: {  	_ = 	snop;
	(pc) =	sbr.rel @!p0 .LBB2_5-.Ltmp1, $1  }
0x12: {  	_ =	sdelay $0x3  }
.LBB2_1:
0x13: {  	[tilespmem:s3], [sflag:$0x6] =	stream.linear.gather [hbm4b:s5+s3], $0x6400, $0x38;
	[tilespmem:$0x1A400] =	vst v63  }
0x14: {  	_ =	swait.ge [sflag:s8], $0x6400  }
0x15: {  	[sflag:s8] =	ssyncset.done $0x0  }
0x16: {  	[sflag:s8] =	ssyncadd.s32 $0xFFFF9C00  }
0x17: {  	[tilespmem:s10], [sflag:$0x1] =	stream.indirect.gather [hbm4b:s4+s9], $0x40, s3, s9, $0xb8;
	[tilespmem:$0x1A400] =	vst v63  }
0x18: {  	_ = 	snop  }
0x19: {  	[tilespmem:s11], [sflag:$0x2] =	stream.indirect.gather [hbm4b:s4+s9], $0x40, s9, s9, $0xb8;
	[tilespmem:$0x1A400] =	vst v63  }
0x1a: {  	_ = 	snop  }
0x1b: {  	[tilespmem:s13], [sflag:$0x3] =	stream.indirect.gather [hbm4b:s4+s9], $0x40, s12, s9, $0xb8;
	[tilespmem:$0x1A400] =	vst v63  }
0x1c: {  	_ = 	snop  }
0x1d: {  	[tilespmem:s15], [sflag:$0x4] =	stream.indirect.gather [hbm4b:s4+s9], $0x40, s14, s9, $0xb8;
	[tilespmem:$0x1A400] =	vst v63  }
0x1e: {  	s24 =	smov.u32 s7;
	s25 =	simm.s32 $0x0  }
0x1f: {  	[tilespmem:s17], [sflag:$0x5] =	stream.indirect.gather [hbm4b:s4+s9], $0x40, s16, s9, $0xb8;
	[tilespmem:$0x1A400] =	vst v63  }
.LBB2_2:
0x20: {  	_ =	swait.ge [sflag:s18], $0x4000;
	s26 =	sand.u32 $0x1FFE0000, s24  }
0x21: {  	s28 =	sand.u32 $0x1F800, s24;
	[sflag:s18] =	ssyncset.done $0x0;
	s26 =	sadd.s32 s2, s26  }
0x22: {  	[sflag:s18] =	ssyncadd.s32 $0xFFFFC000;
	s26 =	sadd.s32 s28, s26  }
0x23: {  	[hbm4b:s26+s3] =	stream.linear.scatter [tilespmem:s10], [sflag:$0x6], $0x4000, $0x38;
	[tilespmem:$0x1A400] =	vst v63  }
0x24: {  	p0 =	seq.s32 s25, $0x17C00;
	_ =	swait.ge [sflag:s8], $0x4000  }
0x25: {  	s29 =	simm.s32 @!p0 $0x100;
	s26 =	sshra.s32 @!p0 s25, $0x2;
	[sflag:s8] =	ssyncset.done $0x0  }
0x26: {  	s30 =	simm.s32 @!p0 $0x6400;
	s28 =	sadd.s32 @!p0 $0x500, s26;
	[sflag:s8] =	ssyncadd.s32 $0xFFFFC000  }
0x27: {  	[tilespmem:s30], [sflag:$0x1] =	stream.indirect.gather @!p0 [hbm4b:s4+s29], $0x40, s28, s29, $0xb8;
	[tilespmem:$0x1A400] =	vst v63  }
0x28: {  	s28 =	sadd.s32 $0x800, s24  }
0x29: {  	_ =	swait.ge [sflag:s19], $0x4000;
	s31 =	sand.u32 $0x1FFE0000, s28  }
0x2a: {  	s28 =	sand.u32 $0x1F800, s28;
	[sflag:s19] =	ssyncset.done $0x0;
	s30 =	sadd.s32 s2, s31  }
0x2b: {  	[sflag:s19] =	ssyncadd.s32 $0xFFFFC000;
	s28 =	sadd.s32 s28, s30  }
0x2c: {  	[hbm4b:s28+s3] =	stream.linear.scatter [tilespmem:s11], [sflag:$0x6], $0x4000, $0x38;
	[tilespmem:$0x1A400] =	vst v63  }
0x2d: {  	_ =	swait.ge [sflag:s8], $0x4000  }
0x2e: {  	[sflag:s8] =	ssyncset.done $0x0  }
0x2f: {  	s30 =	simm.s32 @!p0 $0xA400;
	s28 =	sadd.s32 @!p0 $0x600, s26;
	[sflag:s8] =	ssyncadd.s32 $0xFFFFC000  }
0x30: {  	[tilespmem:s30], [sflag:$0x2] =	stream.indirect.gather @!p0 [hbm4b:s4+s29], $0x40, s28, s29, $0xb8;
	[tilespmem:$0x1A400] =	vst v63  }
0x31: {  	s28 =	sadd.s32 $0x1000, s24  }
0x32: {  	_ =	swait.ge [sflag:s20], $0x4000;
	s31 =	sand.u32 $0x1FFE0000, s28  }
0x33: {  	s28 =	sand.u32 $0x1F800, s28;
	[sflag:s20] =	ssyncset.done $0x0;
	s30 =	sadd.s32 s2, s31  }
0x34: {  	[sflag:s20] =	ssyncadd.s32 $0xFFFFC000;
	s28 =	sadd.s32 s28, s30  }
0x35: {  	[hbm4b:s28+s3] =	stream.linear.scatter [tilespmem:s13], [sflag:$0x6], $0x4000, $0x38;
	[tilespmem:$0x1A400] =	vst v63  }
0x36: {  	_ =	swait.ge [sflag:s8], $0x4000  }
0x37: {  	[sflag:s8] =	ssyncset.done $0x0  }
0x38: {  	s30 =	simm.s32 @!p0 $0xE400;
	s28 =	sadd.s32 @!p0 $0x700, s26;
	[sflag:s8] =	ssyncadd.s32 $0xFFFFC000  }
0x39: {  	[tilespmem:s30], [sflag:$0x3] =	stream.indirect.gather @!p0 [hbm4b:s4+s29], $0x40, s28, s29, $0xb8;
	[tilespmem:$0x1A400] =	vst v63  }
0x3a: {  	s28 =	sadd.s32 $0x1800, s24  }
0x3b: {  	_ =	swait.ge [sflag:s21], $0x4000;
	s31 =	sand.u32 $0x1FFE0000, s28  }
0x3c: {  	s28 =	sand.u32 $0x1F800, s28;
	[sflag:s21] =	ssyncset.done $0x0;
	s30 =	sadd.s32 s2, s31  }
0x3d: {  	[sflag:s21] =	ssyncadd.s32 $0xFFFFC000;
	s28 =	sadd.s32 s28, s30  }
0x3e: {  	[hbm4b:s28+s3] =	stream.linear.scatter [tilespmem:s15], [sflag:$0x6], $0x4000, $0x38;
	[tilespmem:$0x1A400] =	vst v63  }
0x3f: {  	_ =	swait.ge [sflag:s8], $0x4000  }
0x40: {  	s26 =	sadd.s32 @!p0 $0x800, s26;
	[sflag:s8] =	ssyncset.done $0x0  }
0x41: {  	s30 =	sadd.s32 $0x2000, s24;
	s28 =	simm.s32 @!p0 $0x12400;
	[sflag:s8] =	ssyncadd.s32 $0xFFFFC000  }
0x42: {  	[tilespmem:s28], [sflag:$0x4] =	stream.indirect.gather @!p0 [hbm4b:s4+s29], $0x40, s26, s29, $0xb8;
	[tilespmem:$0x1A400] =	vst v63  }
0x43: {  	s31 =	sand.u32 $0x1FFE0000, s30;
	_ =	swait.ge [sflag:s22], $0x4000  }
0x44: {  	s28 =	sadd.s32 s2, s31;
	s26 =	sand.u32 $0x1F800, s30;
	[sflag:s22] =	ssyncset.done $0x0  }
.Ltmp2:
0x45: {  	s26 =	sadd.s32 s26, s28;
	[sflag:s22] =	ssyncadd.s32 $0xFFFFC000;
	(pc) =	sbr.rel @p0 .LBB2_4-.Ltmp2, $4  }
0x46: {  	[hbm4b:s26+s3] =	stream.linear.scatter [tilespmem:s17], [sflag:$0x6], $0x4000, $0x38;
	[tilespmem:$0x1A400] =	vst v63  }
0x47: {  	_ =	swait.ge [sflag:s8], $0x4000  }
0x48: {  	[sflag:s8] =	ssyncset.done $0x0  }
0x49: {  	[sflag:s8] =	ssyncadd.s32 $0xFFFFC000  }
.Ltmp3:
0x4a: {  	(pc) =	sbr.rel .LBB2_2-.Ltmp3, $4  }
0x4b: {  	_ = 	snop  }
0x4c: {  	s26 =	sshra.s32 s25, $0x2  }
0x4d: {  	s25 =	sadd.s32 $0x1400, s25;
	s24 =	sadd.s32 $0x2800, s24;
	s26 =	sadd.s32 $0x900, s26  }
0x4e: {  	[tilespmem:s17], [sflag:$0x5] =	stream.indirect.gather [hbm4b:s4+s9], $0x40, s26, s9, $0xb8;
	[tilespmem:$0x1A400] =	vst v63  }
.LBB2_5:
0x4f: {  	_ =	sfence.sel $0x180000  }
0x50: {  	[bflag:$0x0] =	sbarrier.arrive $0xFFFF  }
0x51: {  	p0 =	sne.s32 s0, $0x0;
	_ =	strace $0x90000047  }
0x52: {  	s0 =	sadd.s32 @!p0 $0x100000, s1;
	[bflag:$0x2] =	sbarrier.arrive $0xFFFF  }
0x53: {  	[sflag:s0] =	ssyncadd.tile.s32 @!p0 $0x1;
	_ =	shalt  }
.Lfunc_end2:
_tile_overlayer_lowered:
.L_overlay_start_2:
0x54: {  	(tag) =	ssettag $0x2  }
0x55: {  	s0 =	rddreg [dreg:$0x0];
	s2 =	stileid.u32  }
0x56: {  	s1 =	rddreg [dreg:$0x1];
	p0 =	sne.s32 s2, $0x0  }
0x57: {  	s3 =	rddreg [dreg:$0x2];
	[bflag:$0x3] =	sbarrier.arrive $0xFFFF;
	s2 =	simm.s32 @!p0 $0x1C06  }
0x58: {  	[timem:s3], [sflag:s2] =	dma.local @!p0 [hbm:s0], s1  }
0x59: {  	s0 =	simm.s32 @!p0 $0x6  }
0x5a: {  	_ =	swait.ge @!p0 [sflag:s0], s1  }
0x5b: {  	s1 =	ssub.s32 @!p0 $0x0, s1;
	[sflag:s0] =	ssyncset.done @!p0 $0x0  }
0x5c: {  	[sflag:s0] =	ssyncadd.s32 @!p0 s1  }
0x5d: {  	[bflag:$0x3] =	sbarrier.arrive $0xFFFF  }
0x5e: {  	_ =	shalt  }

// kernel: sparse-core-data-format-call.cloned.1.call-start
scs
called_computation_lowered:
.L_overlay_start_0:
0x0: {  	s2 =	sld [smem:$0x3FD9]  }
0x1: {  	s3 =	sld [smem:$0x3FFE];
	_ =	sdelay $0x1  }
0x2: {  	s1 =	srdreg.scid  }
0x3: {  	s0 =	sand.u32 $0x1, s1  }
0x4: {  	s18 =	sshll.u32 s0, $0xA;
	s2 =	sadd.s32 s3, s2  }
0x5: {  	s2 =	sadd.s32 s2, s18  }
0x6: {  	[smem:$0x3FC6] =	sst s2  }
0x7: {  	_ = 	snop  }
0x8: {  	s2 =	sld [smem:$0x3FD0];
	(tm) =	ssettm $0x1  }
0x9: {  	s19 =	sld [smem:$0x3FFB];
	_ =	sdelay $0x3  }
0xa: {  	_ =	strace s19  }
0xb: {  	s3 =	sld [smem:$0x3FFC];
	_ =	sdelay $0x3  }
0xc: {  	_ =	strace s3  }
0xd: {  	s3 =	sld [smem:$0x3FFD];
	_ =	sdelay $0x3  }
0xe: {  	_ =	strace s3  }
0xf: {  	_ =	strace $0x8FFFFFFF  }
0x10: {  	s20 =	sld [smem:$0x3FDB];
	_ =	sdelay $0x1  }
0x11: {  	s4 =	simm.s32 $_scs_section_size  }
0x12: {  	s5 =	simm.s32 $_size__tile_overlayer_lowered;
	s6 =	simm.s32 $_tile_overlayer_lowered  }
0x13: {  	s23 =	simm.s32 $0x1BFF;
	s22 =	sshll.u32 s6, $0x1;
	s3 =	sadd.s32 s4, s20  }
0x14: {  	s7 =	simm.s32 $0x0;
	s21 =	sshll.u32 s5, $0x1;
	s5 =	sadd.s32 s22, s3  }
0x15: {  	[timem:s7], [sflag:s23] =	dma.local [hbm:s5], s21  }
0x16: {  	_ =	swait.ge [sflag:s23], s21  }
0x17: {  	s4 =	ssub.s32 $0x0, s21;
	[sflag:s23] =	ssyncset.done $0x0  }
0x18: {  	[sflag:s23] =	ssyncadd.s32 s4;
	_ =	sdelay $0x1  }
0x19: {  	s24 =	simm.s32 $0x1B8B  }
0x1a: {  	_ =	swait.ge [sflag:s24], $0x1  }
0x1b: {  	[sflag:s24] =	ssyncset.done $0x0  }
0x1c: {  	s26 =	simm.s32 $0x1B8E;
	s25 =	sld [smem:$0x3FFE];
	[sflag:s24] =	ssyncadd.s32 $0xFFFFFFFF  }
0x1d: {  	s27 =	simm.s32 $execute0_lowered;
	[smem:$0x3FD2] =	sst s26  }
0x1e: {  	s5 =	sshll.u32 s27, $0x1;
	_ =	strace $0x80000049;
	[dreg:$0x1] =	wrdreg $0xFFFFFFFF  }
0x1f: {  	s28 =	simm.s32 $_size_execute0_lowered;
	s3 =	sadd.s32 s3, s5;
	[dreg:$0x0] =	wrdreg $0x0  }
0x20: {  	s5 =	sshll.u32 s28, $0x1;
	[dreg:$0x2] =	wrdreg s3  }
0x21: {  	[dreg:$0x3] =	wrdreg s5  }
0x22: {  	[dreg:$0x4] =	wrdreg $0xC0  }
0x23: {  	_ =	task [dreg:s7], $0x5FFFF  }
0x24: {  	[dreg:$0x1] =	wrdreg $0xFFFFFFFF  }
0x25: {  	[dreg:$0x0] =	wrdreg $0x60  }
0x26: {  	[dreg:$0x2] =	wrdreg s25  }
0x27: {  	[dreg:$0x3] =	wrdreg s2  }
0x28: {  	[dreg:$0x4] =	wrdreg $0x9  }
0x29: {  	_ =	task.clear_ibuf [dreg:s7], $0x5FFFF;
	_ =	strace $0x90000049  }
0x2a: {  	s29 =	simm.s32 $0x9;
	_ =	strace $0x8000004B  }
0x2b: {  	_ =	swait.ge [sflag:s29], $0x1  }
0x2c: {  	[sflag:s29] =	ssyncadd.s32 $0xFFFFFFFF  }
0x2d: {  	_ =	strace $0x9000004B  }
0x2e: {  	_ =	sfence  }
0x2f: {  	s30 =	sld [smem:$0x0];
	_ =	sdelay $0x2  }
0x30: {  	s31 =	sshll.u32 s1, $0xD;
	s1 =	sshrl.u32 s1, $0x2  }
0x31: {  	s3 =	sand.u32 $0x4000, s31;
	s1 =	sadd.s32 s1, s30  }
0x32: {  	s0 =	sor.u32 s3, s0;
	s1 =	sshll.u32 s1, $0x11  }
0x33: {  	s0 =	sor.u32 s1, s0  }
0x34: {  	s0 =	sadd.s32 $0x8F2B, s0  }
0x35: {  	[sflag:s0] =	ssyncadd.remote.s32 $0x1  }
0x36: {  	_ =	sfence.sel $0xFFFF  }
0x37: {  	[dreg:$0x0] =	wrdreg $0xFFFFFFFF;
	(pc) =	sbr.abs _section_cstart, $3  }
0x38: {  	[dreg:$0x1] =	wrdreg $0xFFFFFFFF  }
0x39: {  	_ =	task.clear_ibuf [dreg:s7], $0x2FFFF;
	_ =	strace $0x9FFFFFFF  }
0x3a: {  	(tm) =	ssettm $0x7FFFFFFF  }
0x3b: {  	_ =	shalt  }
tec
execute0_lowered:
.L_overlay_start_1:
0x0: {  	(tag) =	ssettag $0x1  }
0x1: {  	s0 =	srdreg.scid  }
0x2: {  	s1 =	sshll.u32 s0, $0x4  }
0x3: {  	s0 =	stileid.u32;
	s1 =	sand.u32 $0x10, s1  }
0x4: {  	s7 =	rddreg [dreg:$0x0];
	s1 =	sor.u32 s0, s1  }
0x5: {  	s4 =	simm.s32 $0x1;
	s8 =	simm.s32 $0x2;
	s2 =	sshll.u32 s1, $0x7  }
0x6: {  	s13 =	simm.s32 $0x0;
	s9 =	simm.s32 $0x20000;
	s1 =	ssub.s32 $0x4000, s2  }
0x7: {  	s14 =	simm.s32 $0x0;
	s11 =	simm.s32 $0x0;
	s3 =	sand.u32 $0xF80, s1  }
0x8: {  	s12 =	simm.s32 $0x0;
	s5 =	sshrl.u32 s1, $0xC;
	p0 =	sne.s32 s3, $0x0  }
.Ltmp0:
0x9: {  	s1 =	rddreg [dreg:$0x2];
	s4 =	simm.s32 @!p0 $0x0;
	(pc) =	sbr.rel .LBB1_1-.Ltmp0, $4  }
0xa: {  	s6 =	sadd.s32 $0xA00, s7;
	s3 =	rddreg [dreg:$0x1];
	s5 =	sadd.s32 s4, s5  }
0xb: {  	_ =	strace $0x8000004A;
	s4 =	simm.s32 $0x1;
	s5 =	smul.u32 $0x19, s5  }
0xc: {  	s7 =	sadd.s32 $0x40A00, s7;
	s10 =	smov.u32 s2;
	[sflag:s4] =	ssyncpa.u1 $0x0  }
0xd: {  	p0 =	por $0x0, $0x0;
	[sflag:s8] =	ssyncpa.u1 $0x0;
	s8 =	sadd.s32 $0x1, s5  }
.LBB1_7:
0xe: {  	s15 =	sadd.s32 $0x1000, s10  }
0xf: {  	s13 =	sadd.s32 $0x2, s11;
	s17 =	smov.u32 s11;
	p2 =	sgt.s32 s15, $0x3FFF  }
0x10: {  	s17 =	smov.u32 @p2 s13  }
0x11: {  	s15 =	smov.u32 @p2 s2;
	p2 =	sgt.s32 s17, $0x31  }
0x12: {  	s17 =	simm.s32 @p2 $0x0;
	p2 =	sne.s32 s12, s8  }
.Ltmp1:
0x13: {  	p1 =	slt.u32 s12, $0x2;
	(pc) =	sbr.rel @!p2 .LBB1_8-.Ltmp1, $4  }
0x14: {  	s16 =	simm.s32 @!p1 $0x2  }
0x15: {  	s14 =	smov.u32 s11;
	p0 =	por !p0, !p0;
	_ =	swait.ge @!p1 [sflag:s16], $0x4000  }
0x16: {  	s13 =	smov.u32 s10;
	[sflag:s16] =	ssyncset.done @!p1 $0x0;
	s10 =	smov.u32 s15  }
0x17: {  	s12 =	sadd.s32 $0x1, s12;
	[sflag:s16] =	ssyncadd.s32 @!p1 $0xFFFFC000;
	s11 =	smov.u32 s17  }
.LBB1_1:
0x18: {  	p1 =	sge.u32 s12, s5  }
0x19: {  	s15 =	sxor.u32 @!p1 $0xFFFFFFFF, s12;
	s16 =	sshll.u32 @!p1 s11, $0x12  }
0x1a: {  	s17 =	sshll.u32 @!p1 s10, $0x4;
	s19 =	simm.s32 @!p1 $0x40;
	s20 =	simm.s32 @!p1 $0x80  }
0x1b: {  	s15 =	sshll.u32 @!p1 s15, $0xE;
	s17 =	sand.u32 @!p1 $0x3FFF0, s17;
	s18 =	sadd.s32 @!p1 s6, s16  }
0x1c: {  	s16 =	sadd.s32 @!p1 s16, s7;
	s15 =	sand.u32 @!p1 $0x4000, s15;
	s18 =	sadd.s32 @!p1 s17, s18  }
0x1d: {  	[tilespmem:s15], [sflag:$0x1] =	stream.strided.gather @!p1 [hbm4b:s18+s19], $0x2000, s20, s19, $0x38;
	[tilespmem:$0x10100] =	vst v63  }
0x1e: {  	s31 =	sadd.s32 $0xFFFFFFFF, s12;
	s16 =	sadd.s32 @!p1 s17, s16;
	s15 =	sor.u32 @!p1 $0x2000, s15  }
0x1f: {  	[tilespmem:s15], [sflag:$0x1] =	stream.strided.gather @!p1 [hbm4b:s16+s19], $0x2000, s20, s19, $0x38;
	[tilespmem:$0x10100] =	vst v63  }
0x20: {  	p1 =	sge.u32 s31, s5  }
.Ltmp2:
0x21: {  	_ = 	snop;
	(pc) =	sbr.rel @p1 .LBB1_7-.Ltmp2, $1  }
0x22: {  	_ =	sdelay $0x3  }
0x23: {  	s15 =	simm.s32 $0x1;
	s17 =	sand.u32 $0x1, s12  }
0x24: {  	_ =	swait.ge [sflag:s4], $0x4000;
	s15 =	simm.s32 @!p0 $0x0;
	s17 =	smul.u32 $0x10200, s17  }
0x25: {  	p2 =	por $0x1, $0x1;
	[sflag:s4] =	ssyncset.done $0x0;
	s16 =	smul.u32 $0x10200, s15  }
0x26: {  	s18 =	sshll.u32 s15, $0x10;
	[sflag:s4] =	ssyncadd.s32 $0xFFFFC000;
	s30 =	sshrl.u32 s17, $0x2  }
0x27: {  	s31 =	sshrl.u32 s18, $0x2;
	s18 =	simm.s32 $0x0;
	s16 =	sshrl.u32 s16, $0x2  }
0x28: {  	s15 =	sor.u32 $0x8000, s30;
	s17 =	sadd.s32 $0x20, s31;
	s16 =	sor.u32 $0x8000, s16  }
.LBB1_3:
0x29: {  	s19 =	sshll.u32 s18, $0xD  }
0x2a: {  	s19 =	sand.u32 $0x3FFFE000, s19  }
0x2b: {  	s21 =	sadd.s32 s19, s17  }
0x2c: {  	s31 =	smul.u32 $0x8100, s18;
	v3 =	vld [tilespmem:s21+$0x10]  }
0x2d: {  	v1 =	vld [tilespmem:s21+$0xFFFFFFF0]  }
0x2e: {  	s18 =	sshra.s32 s31, $0x2;
	v0 =	vld [tilespmem:s21+$0x0]  }
0x2f: {  	s18 =	sadd.s32 s18, s16;
	v2 =	vld [tilespmem:s21+$0xFFFFFFE0]  }
0x30: {  	s19 =	sadd.s32 $0x0, s18  }
0x31: {  	p1 =	por p2, p2;
	s20 =	simm.s32 $0x4;
	s21 =	sadd.s32 $0x40, s21;
	[tilespmem:s19+$0x1830 ss:$0x81] =	vst.msk $0xffff, v3  }
.LBB1_4:
0x32: {  	v3 =	vld [tilespmem:s21+$0x10];
	p2 =	sne.s32 s20, $0x1FC;
	[tilespmem:s19+$0x810 ss:$0x81] =	vst.msk $0xffff, v1;
	s22 =	smov.u32 s20;
	s20 =	sadd.s32 $0x4, s20  }
.Ltmp3:
0x33: {  	v1 =	vld [tilespmem:s21+$0xFFFFFFF0];
	[tilespmem:s19+$0x1020 ss:$0x81] =	vst.msk $0xffff, v0;
	(pc) =	sbr.rel @p2 .LBB1_4-.Ltmp3, $4  }
0x34: {  	v0 =	vld [tilespmem:s21+$0x0];
	[tilespmem:s19+$0x0 ss:$0x81] =	vst.msk $0xffff, v2  }
0x35: {  	s19 =	sshra.s32 s22, $0x2;
	v2 =	vld [tilespmem:s21+$0xFFFFFFE0]  }
0x36: {  	s19 =	sadd.s32 s19, s18  }
0x37: {  	s21 =	sadd.s32 $0x40, s21;
	[tilespmem:s19+$0x1830 ss:$0x81] =	vst.msk $0xffff, v3  }
.Ltmp4:
0x38: {  	(pc) =	sbr.rel @p1 .LBB1_3-.Ltmp4, $4  }
0x39: {  	_ = 	snop  }
0x3a: {  	[tilespmem:s19+$0x810 ss:$0x81] =	vst.msk $0xffff, v1  }
0x3b: {  	[tilespmem:s19+$0x1020 ss:$0x81] =	vst.msk $0xffff, v0  }
0x3c: {  	s18 =	simm.s32 $0x1;
	p2 =	por $0x0, $0x0;
	[tilespmem:s19+$0x0 ss:$0x81] =	vst.msk $0xffff, v2  }
0x3d: {  	s16 =	sshll.u32 s13, $0x3;
	s17 =	sand.u32 $0x78, s13;
	s14 =	sshll.u32 s14, $0x11  }
.Ltmp5:
0x3e: {  	s30 =	sand.u32 $0x1F800, s13;
	s16 =	sand.u32 $0x3C00, s16;
	(pc) =	sbr.rel .LBB1_7-.Ltmp5, $4  }
0x3f: {  	s31 =	sand.u32 $0x7, s13;
	s14 =	sadd.s32 s3, s14;
	s16 =	sor.u32 s17, s16  }
0x40: {  	s13 =	sshll.u32 s31, $0x12;
	s14 =	sadd.s32 s30, s14;
	s16 =	sshrl.u32 s16, $0x3  }
0x41: {  	s13 =	sor.u32 $0x400, s13;
	s14 =	sadd.s32 s16, s14  }
0x42: {  	[hbm4b:s14+s13] =	stream.strided.scatter [tilespmem:s15], [sflag:$0x2], $0x4000, s9, s13, $0x20;
	[tilespmem:$0x10100] =	vst v63  }
.LBB1_8:
0x43: {  	_ =	sfence.sel $0x180000  }
0x44: {  	s2 =	simm.s32 $0x1;
	[bflag:$0x0] =	sbarrier.arrive $0xFFFF  }
0x45: {  	s31 =	simm.s32 $0x2;
	[sflag:s2] =	ssyncpa.u1 $0x1  }
0x46: {  	[sflag:s31] =	ssyncpa.u1 $0x1  }
0x47: {  	p0 =	sne.s32 s0, $0x0;
	_ =	strace $0x9000004A  }
0x48: {  	s0 =	sadd.s32 @!p0 $0x100000, s1;
	[bflag:$0x2] =	sbarrier.arrive $0xFFFF  }
0x49: {  	[sflag:s0] =	ssyncadd.tile.s32 @!p0 $0x1;
	_ =	shalt  }
.Lfunc_end1:
_tile_overlayer_lowered:
.L_overlay_start_2:
0x4a: {  	(tag) =	ssettag $0x2  }
0x4b: {  	s0 =	rddreg [dreg:$0x0];
	s2 =	stileid.u32  }
0x4c: {  	s1 =	rddreg [dreg:$0x1];
	p0 =	sne.s32 s2, $0x0  }
0x4d: {  	s3 =	rddreg [dreg:$0x2];
	[bflag:$0x3] =	sbarrier.arrive $0xFFFF;
	s2 =	simm.s32 @!p0 $0x1C01  }
0x4e: {  	[timem:s3], [sflag:s2] =	dma.local @!p0 [hbm:s0], s1  }
0x4f: {  	s0 =	simm.s32 @!p0 $0x1  }
0x50: {  	_ =	swait.ge @!p0 [sflag:s0], s1  }
0x51: {  	s1 =	ssub.s32 @!p0 $0x0, s1;
	[sflag:s0] =	ssyncset.done @!p0 $0x0  }
0x52: {  	[sflag:s0] =	ssyncadd.s32 @!p0 s1  }
0x53: {  	[bflag:$0x3] =	sbarrier.arrive $0xFFFF  }
0x54: {  	_ =	shalt  }

</sc_bundles>
